<compile_context>
chip_gen: v7x
topology: tpu7x:2x2x1
jax: 0.10.2.dev20260603
libtpu: 0.0.44.dev20260713+nightly
codegen_flags: <defaults>
</compile_context>

<pallas_src>
import functools

import jax
import jax.numpy as jnp
from jax import lax
from jax.experimental import pallas as pl
from jax.experimental.pallas import tpu as pltpu
from jax.experimental.pallas import tpu_sc as plsc

NUM_FEATURES = 155522
EMBED_DIM = 20
PAD_DIM = 32
NUM_USERS = 50000
BAG_LEN = 50
PBAG = 64
TAB_DIM = 128
BATCH = 4096
NBAGS = 2 * BATCH


_BPW = NBAGS // 32


_K = 4
_GROWS = _K * PBAG
_NGRP = _BPW // _K


def _sc_body(epad_hbm, bags_hbm, out_hbm, i0, i1, r0, r1, mean_v, s0, s1):
    wid = lax.axis_index("s") * 2 + lax.axis_index("c")
    gbase = wid * _NGRP * _GROWS

    def fire(g, ibuf, rbuf, sem):
        pltpu.sync_copy(bags_hbm.at[pl.ds(gbase + g * _GROWS, _GROWS)], ibuf)
        pltpu.async_copy(epad_hbm.at[ibuf], rbuf, sem)

    def drain(g, ibuf, rbuf, sem):
        pltpu.make_async_copy(epad_hbm.at[ibuf], rbuf, sem).wait()

    def accum(g, rbuf):
        def bag(t, _):
            def body(p, accs):
                a0, a1, b0, b1 = accs
                r = t * PBAG + 2 * p
                a0 = a0 + rbuf[r, pl.ds(0, 16)]
                a1 = a1 + rbuf[r, pl.ds(16, 16)]
                b0 = b0 + rbuf[r + 1, pl.ds(0, 16)]
                b1 = b1 + rbuf[r + 1, pl.ds(16, 16)]
                return a0, a1, b0, b1

            z = jnp.zeros((16,), jnp.float32)
            a0, a1, b0, b1 = lax.fori_loop(0, PBAG // 2, body, (z, z, z, z),
                                           unroll=8)
            mean_v[g * _K + t, pl.ds(0, 16)] = a0 + b0
            mean_v[g * _K + t, pl.ds(16, 16)] = a1 + b1
            return 0

        lax.fori_loop(0, _K, bag, 0)

    fire(0, i0, r0, s0)

    def pair(i, _):
        ga = 2 * i
        fire(ga + 1, i1, r1, s1)
        drain(ga, i0, r0, s0)
        accum(ga, r0)

        @pl.when(ga + 2 < _NGRP)
        def _():
            fire(ga + 2, i0, r0, s0)

        drain(ga + 1, i1, r1, s1)
        accum(ga + 1, r1)
        return 0

    lax.fori_loop(0, _NGRP // 2, pair, 0)
    pltpu.sync_copy(mean_v, out_hbm.at[pl.ds(wid * _BPW, _BPW)])


def _sc_bags(epad, bags):
    mesh = plsc.VectorSubcoreMesh(core_axis_name="c", subcore_axis_name="s")
    f = functools.partial(
        pl.kernel,
        out_type=jax.ShapeDtypeStruct((NBAGS, PAD_DIM), jnp.float32),
        mesh=mesh,
        scratch_types=[
            pltpu.VMEM((_GROWS,), jnp.int32),
            pltpu.VMEM((_GROWS,), jnp.int32),
            pltpu.VMEM((_GROWS, TAB_DIM), jnp.float32),
            pltpu.VMEM((_GROWS, TAB_DIM), jnp.float32),
            pltpu.VMEM((_BPW, PAD_DIM), jnp.float32),
            pltpu.SemaphoreType.DMA,
            pltpu.SemaphoreType.DMA,
        ],
        compiler_params=pltpu.CompilerParams(use_tc_tiling_on_sc=True),
    )(_sc_body)
    return f(epad, bags)




def _mlp_body(m_ref, w1_ref, b1_ref, w2_ref, b2_ref, out_ref):
    m = m_ref[...]
    cnt = jnp.maximum(m[:, EMBED_DIM : EMBED_DIM + 1], 1.0)
    md = m / cnt
    x = jnp.concatenate([md[:BATCH], md[BATCH:]], axis=1)
    dn = (((1,), (1,)), ((), ()))
    h = jnp.maximum(lax.dot_general(x, w1_ref[...], dn) + b1_ref[...], 0.0)
    out_ref[...] = jnp.sum(h * w2_ref[...], axis=1, keepdims=True) + b2_ref[...]


def _mlp(means, w1p, b1, w2, b2):
    return pl.pallas_call(
        _mlp_body,
        out_shape=jax.ShapeDtypeStruct((BATCH, 1), jnp.float32),
    )(means, w1p, b1.reshape(1, 32), w2, b2.reshape(1, 1))


def kernel(BoW, edge_label_index, emb_weight, W1, b1, W2, b2):
    ss = jnp.sum(emb_weight * emb_weight, axis=1, keepdims=True)
    scale = jnp.minimum(1.0, 1.0 / jnp.maximum(jnp.sqrt(ss), 1e-7))
    ind = (jnp.arange(NUM_FEATURES, dtype=jnp.int32) != 0).astype(jnp.float32)
    ind = ind[:, None]
    epad = jnp.concatenate(
        [emb_weight * scale * ind, ind,
         jnp.zeros((NUM_FEATURES, TAB_DIM - EMBED_DIM - 1), jnp.float32)], axis=1)
    bowp = jnp.concatenate(
        [BoW, jnp.zeros((NUM_USERS, PBAG - BAG_LEN), jnp.int32)], axis=1)
    eli_flat = edge_label_index.reshape(NBAGS)
    bags = jnp.take(bowp, eli_flat, axis=0).reshape(NBAGS * PBAG)

    means = _sc_bags(epad, bags)

    zpad = jnp.zeros((32, PAD_DIM - EMBED_DIM), jnp.float32)
    w1p = jnp.concatenate([W1[:, :EMBED_DIM], zpad, W1[:, EMBED_DIM:], zpad], axis=1)
    out = _mlp(means, w1p, b1, W2, b2)
    return out.reshape(BATCH)

# --- scband reference (transcript-rebuilt; emitter-appended) ---
"""Pipeline reference for scband-fcn-64029372449062 (READ-ONLY COPY).

The authoritative reference and input builder live on the scoring server;
editing this copy changes nothing except your own understanding.
"""

import jax, jax.numpy as jnp
import numpy as np

NUM_FEATURES = 155522
EMBED_DIM = 20
HIDDEN_DIM = 32
NUM_USERS = 50000
BAG_LEN = 50
BATCH = 4096


def setup_inputs(seed: int = 0) -> dict:
    key = jax.random.key(seed)
    ks = jax.random.split(key, 8)
    BoW = jax.random.randint(ks[0], (NUM_USERS, BAG_LEN), 0, NUM_FEATURES, dtype=jnp.int32)
    edge_label_index = jax.random.randint(ks[1], (2, BATCH), 0, NUM_USERS, dtype=jnp.int32)
    emb_weight = jax.random.normal(ks[2], (NUM_FEATURES, EMBED_DIM), dtype=jnp.float32)
    W1 = jax.random.normal(ks[3], (HIDDEN_DIM, 2 * EMBED_DIM), dtype=jnp.float32) / jnp.sqrt(2.0 * EMBED_DIM)
    b1 = jnp.zeros((HIDDEN_DIM,), dtype=jnp.float32)
    W2 = jax.random.normal(ks[4], (1, HIDDEN_DIM), dtype=jnp.float32) / jnp.sqrt(float(HIDDEN_DIM))
    b2 = jnp.full((1,), 0.5, dtype=jnp.float32)
    return {"BoW": BoW, "edge_label_index": edge_label_index, "emb_weight": emb_weight,
            "W1": W1, "b1": b1, "W2": W2, "b2": b2}


def _embedding_bag_mean(emb_weight, idx):
    # EmbeddingBag(max_norm=1, mode='mean', padding_idx=0)
    vecs = jnp.take(emb_weight, idx, axis=0)  # [B, L, D] gather
    norms = jnp.linalg.norm(vecs, axis=-1, keepdims=True)
    # max_norm renorm is done in-place under no_grad in torch -> stop_gradient the scale
    scale = jax.lax.stop_gradient(jnp.minimum(1.0, 1.0 / jnp.maximum(norms, 1e-7)))
    vecs = vecs * scale
    mask = (idx != 0)[..., None].astype(vecs.dtype)  # padding_idx=0 excluded from mean
    s = jnp.sum(vecs * mask, axis=1)
    cnt = jnp.maximum(jnp.sum(mask, axis=1), 1.0)
    return s / cnt


def reference(BoW, edge_label_index, emb_weight, W1, b1, W2, b2):
    user1_feat = jnp.take(BoW, edge_label_index[0], axis=0)  # [B, L]
    user2_feat = jnp.take(BoW, edge_label_index[1], axis=0)  # [B, L]
    user1_vector = _embedding_bag_mean(emb_weight, user1_feat)
    user2_vector = _embedding_bag_mean(emb_weight, user2_feat)
    x = jnp.concatenate([user1_vector, user2_vector], axis=1)  # [B, 2*D]
    h = jax.nn.relu(x @ W1.T + b1)
    # Dropout is identity in eval mode
    out = (h @ W2.T + b2).squeeze()
    return out

if __name__ == "__main__":
    import jax
    _d = setup_inputs()
    print(jax.jit(kernel)(*tuple(_d.values())))

</pallas_src>

<mosaic_0001>
#map = affine_map<(d0, d1) -> (0, 0)>
#map1 = affine_map<(d0, d1) -> (0)>
module attributes {stable_mosaic.version = 14 : i64} {
  func.func @_sc_body(%arg0: i32, %arg1: i32, %arg2: memref<155522x128xf32, #tpu.memory_space<hbm>>, %arg3: memref<524288xi32, #tpu.memory_space<hbm>>, %arg4: memref<8192x32xf32, #tpu.memory_space<hbm>>, %arg5: memref<256xi32, #tpu.memory_space<vmem>>, %arg6: memref<256xi32, #tpu.memory_space<vmem>>, %arg7: memref<256x128xf32, #tpu.memory_space<vmem>>, %arg8: memref<256x128xf32, #tpu.memory_space<vmem>>, %arg9: memref<256x32xf32, #tpu.memory_space<vmem>>, %arg10: memref<!tpu.dma_semaphore, #tpu.memory_space<semaphore_mem>>, %arg11: memref<!tpu.dma_semaphore, #tpu.memory_space<semaphore_mem>>) attributes {dimension_semantics = [#tpu.dimension_semantics<core_parallel>, #tpu.dimension_semantics<subcore_parallel>], iteration_bounds = array<i64: 2, 16>, scalar_prefetch = 0 : i64, scratch_operands = 7 : i64, tpu.core_type = #tpu.core_type<sc_vector_subcore>, window_params = [{transform_indices = #map}, {transform_indices = #map1}, {transform_indices = #map}]} {
    %mul3A = arith.constant 2 : i32
    %mul3A_0 = arith.muli %arg1, %mul3A : i32
    %add3A = arith.addi %mul3A_0, %arg0 : i32
    %mul3A_1 = arith.constant 64 : i32
    %mul3A_2 = arith.muli %add3A, %mul3A_1 : i32
    %mul3A_3 = arith.constant 256 : i32
    %mul3A_4 = arith.muli %mul3A_2, %mul3A_3 : i32
    %add3A_5 = arith.constant 0 : i32
    %add3A_6 = arith.addi %mul3A_4, %add3A_5 : i32
    "tpu.region"() ({
      %run_scoped3A = tpu.sem_alloc : memref<!tpu.dma_semaphore, #tpu.memory_space<semaphore_mem>>
      %dma_start3A_17 = tpu.memref_slice %arg3[%add3A_6] : memref<524288xi32, #tpu.memory_space<hbm>> -> memref<256xi32, #tpu.memory_space<hbm>>
      %dma_start3A_18 = tpu.memref_slice %arg3[%add3A_6] : memref<524288xi32, #tpu.memory_space<hbm>> -> memref<256xi32, #tpu.memory_space<hbm>>
      tpu.enqueue_dma source(%dma_start3A_18 : memref<256xi32, #tpu.memory_space<hbm>>) target(%arg5 : memref<256xi32, #tpu.memory_space<vmem>>) target_semaphore(%run_scoped3A : memref<!tpu.dma_semaphore, #tpu.memory_space<semaphore_mem>>)
      %dma_wait3A = tpu.memref_slice %arg3[%add3A_6] : memref<524288xi32, #tpu.memory_space<hbm>> -> memref<256xi32, #tpu.memory_space<hbm>>
      %dma_wait3A_19 = tpu.memref_slice %arg3[%add3A_6] : memref<524288xi32, #tpu.memory_space<hbm>> -> memref<256xi32, #tpu.memory_space<hbm>>
      tpu.wait_dma2 semaphore(%run_scoped3A : memref<!tpu.dma_semaphore, #tpu.memory_space<semaphore_mem>>) src(%dma_wait3A_19 : memref<256xi32, #tpu.memory_space<hbm>>) dst(%arg5 : memref<256xi32, #tpu.memory_space<vmem>>)
      tpu.yield
    }) : () -> ()
    %dma_start3A = arith.constant 0 : i32
    %dma_start3A_7 = arith.constant 0 : i32
    %dma_start3A_8 = tpu.memref_slice %arg2[%dma_start3A, %dma_start3A_7] : memref<155522x128xf32, #tpu.memory_space<hbm>> -> memref<155522x128xf32, #tpu.memory_space<hbm>>
    tpu.enqueue_indirect_dma source(%dma_start3A_8 : memref<155522x128xf32, #tpu.memory_space<hbm>>) target(%arg7 : memref<256x128xf32, #tpu.memory_space<vmem>>) offsets(%arg5 : memref<256xi32, #tpu.memory_space<vmem>>) semaphore(%arg10 : memref<!tpu.dma_semaphore, #tpu.memory_space<semaphore_mem>>)
    %scan3A = arith.constant 0 : i32
    %scan3A_9 = arith.constant 0 : i32
    %scan3A_10 = arith.constant 32 : i32
    %scan3A_11 = arith.addi %scan3A_9, %scan3A_10 : i32
    %scan3A_12 = arith.constant 1 : i32
    %scan3A_13 = scf.for %scan3A_17 = %scan3A_9 to %scan3A_11 step %scan3A_12 iter_args(%scan3A_18 = %scan3A) -> (i32)  : i32 {
      %mul3A_19 = arith.constant 2 : i32
      %mul3A_20 = arith.muli %mul3A_19, %scan3A_17 : i32
      %add3A_21 = arith.constant 1 : i32
      %add3A_22 = arith.addi %mul3A_20, %add3A_21 : i32
      %mul3A_23 = arith.constant 256 : i32
      %mul3A_24 = arith.muli %add3A_22, %mul3A_23 : i32
      %add3A_25 = arith.addi %mul3A_4, %mul3A_24 : i32
      "tpu.region"() ({
        %run_scoped3A = tpu.sem_alloc : memref<!tpu.dma_semaphore, #tpu.memory_space<semaphore_mem>>
        %dma_start3A_57 = tpu.memref_slice %arg3[%add3A_25] : memref<524288xi32, #tpu.memory_space<hbm>> -> memref<256xi32, #tpu.memory_space<hbm>>
        %dma_start3A_58 = tpu.memref_slice %arg3[%add3A_25] : memref<524288xi32, #tpu.memory_space<hbm>> -> memref<256xi32, #tpu.memory_space<hbm>>
        tpu.enqueue_dma source(%dma_start3A_58 : memref<256xi32, #tpu.memory_space<hbm>>) target(%arg6 : memref<256xi32, #tpu.memory_space<vmem>>) target_semaphore(%run_scoped3A : memref<!tpu.dma_semaphore, #tpu.memory_space<semaphore_mem>>)
        %dma_wait3A_59 = tpu.memref_slice %arg3[%add3A_25] : memref<524288xi32, #tpu.memory_space<hbm>> -> memref<256xi32, #tpu.memory_space<hbm>>
        %dma_wait3A_60 = tpu.memref_slice %arg3[%add3A_25] : memref<524288xi32, #tpu.memory_space<hbm>> -> memref<256xi32, #tpu.memory_space<hbm>>
        tpu.wait_dma2 semaphore(%run_scoped3A : memref<!tpu.dma_semaphore, #tpu.memory_space<semaphore_mem>>) src(%dma_wait3A_60 : memref<256xi32, #tpu.memory_space<hbm>>) dst(%arg6 : memref<256xi32, #tpu.memory_space<vmem>>)
        tpu.yield
      }) : () -> ()
      %dma_start3A_26 = arith.constant 0 : i32
      %dma_start3A_27 = arith.constant 0 : i32
      %dma_start3A_28 = tpu.memref_slice %arg2[%dma_start3A_26, %dma_start3A_27] : memref<155522x128xf32, #tpu.memory_space<hbm>> -> memref<155522x128xf32, #tpu.memory_space<hbm>>
      tpu.enqueue_indirect_dma source(%dma_start3A_28 : memref<155522x128xf32, #tpu.memory_space<hbm>>) target(%arg8 : memref<256x128xf32, #tpu.memory_space<vmem>>) offsets(%arg6 : memref<256xi32, #tpu.memory_space<vmem>>) semaphore(%arg11 : memref<!tpu.dma_semaphore, #tpu.memory_space<semaphore_mem>>)
      %dma_wait3A = arith.constant 0 : i32
      %dma_wait3A_29 = arith.constant 0 : i32
      %dma_wait3A_30 = tpu.memref_slice %arg2[%dma_wait3A, %dma_wait3A_29] : memref<155522x128xf32, #tpu.memory_space<hbm>> -> memref<155522x128xf32, #tpu.memory_space<hbm>>
      tpu.wait_indirect_dma semaphore(%arg10 : memref<!tpu.dma_semaphore, #tpu.memory_space<semaphore_mem>>) src(%dma_wait3A_30 : memref<155522x128xf32, #tpu.memory_space<hbm>>) dst(%arg7 : memref<256x128xf32, #tpu.memory_space<vmem>>)
      %scan3A_31 = arith.constant 0 : i32
      %scan3A_32 = arith.constant 0 : i32
      %scan3A_33 = arith.constant 4 : i32
      %scan3A_34 = arith.addi %scan3A_32, %scan3A_33 : i32
      %scan3A_35 = arith.constant 1 : i32
      %scan3A_36 = scf.for %scan3A_57 = %scan3A_32 to %scan3A_34 step %scan3A_35 iter_args(%scan3A_58 = %scan3A_31) -> (i32)  : i32 {
        %broadcast_in_dim3A = arith.constant 0.000000e+00 : f32
        %broadcast_in_dim3A_59 = vector.broadcast %broadcast_in_dim3A : f32 to vector<16xf32>
        %scan3A_60 = arith.constant 0 : i32
        %scan3A_61 = arith.constant 32 : i32
        %scan3A_62 = arith.addi %scan3A_60, %scan3A_61 : i32
        %scan3A_63 = arith.constant 8 : i32
        %scan3A_64:4 = scf.for %scan3A_84 = %scan3A_60 to %scan3A_62 step %scan3A_63 iter_args(%scan3A_85 = %broadcast_in_dim3A_59, %scan3A_86 = %broadcast_in_dim3A_59, %scan3A_87 = %broadcast_in_dim3A_59, %scan3A_88 = %broadcast_in_dim3A_59) -> (vector<16xf32>, vector<16xf32>, vector<16xf32>, vector<16xf32>)  : i32 {
          %mul3A_89 = arith.constant 64 : i32
          %mul3A_90 = arith.muli %scan3A_57, %mul3A_89 : i32
          %mul3A_91 = arith.constant 2 : i32
          %mul3A_92 = arith.muli %mul3A_91, %scan3A_84 : i32
          %add3A_93 = arith.addi %mul3A_90, %mul3A_92 : i32
          %get3A = arith.index_cast %add3A_93 : i32 to index
          %get3A_94 = arith.constant 0 : index
          %get3A_95 = tpu.vector_load %arg7[%get3A, %get3A_94] {strides = array<i32>} : memref<256x128xf32, #tpu.memory_space<vmem>>, vector<1x16xf32>,
          %get3A_96 = vector.shape_cast %get3A_95 : vector<1x16xf32> to vector<16xf32>
          %add3A_97 = arith.addf %scan3A_85, %get3A_96 : vector<16xf32>
          %get3A_98 = arith.index_cast %add3A_93 : i32 to index
          %get3A_99 = arith.constant 16 : index
          %get3A_100 = tpu.vector_load %arg7[%get3A_98, %get3A_99] {strides = array<i32>} : memref<256x128xf32, #tpu.memory_space<vmem>>, vector<1x16xf32>,
          %get3A_101 = vector.shape_cast %get3A_100 : vector<1x16xf32> to vector<16xf32>
          %add3A_102 = arith.addf %scan3A_86, %get3A_101 : vector<16xf32>
          %add3A_103 = arith.constant 1 : i32
          %add3A_104 = arith.addi %add3A_93, %add3A_103 : i32
          %get3A_105 = arith.index_cast %add3A_104 : i32 to index
          %get3A_106 = arith.constant 0 : index
          %get3A_107 = tpu.vector_load %arg7[%get3A_105, %get3A_106] {strides = array<i32>} : memref<256x128xf32, #tpu.memory_space<vmem>>, vector<1x16xf32>,
          %get3A_108 = vector.shape_cast %get3A_107 : vector<1x16xf32> to vector<16xf32>
          %add3A_109 = arith.addf %scan3A_87, %get3A_108 : vector<16xf32>
          %add3A_110 = arith.constant 1 : i32
          %add3A_111 = arith.addi %add3A_93, %add3A_110 : i32
          %get3A_112 = arith.index_cast %add3A_111 : i32 to index
          %get3A_113 = arith.constant 16 : index
          %get3A_114 = tpu.vector_load %arg7[%get3A_112, %get3A_113] {strides = array<i32>} : memref<256x128xf32, #tpu.memory_space<vmem>>, vector<1x16xf32>,
          %get3A_115 = vector.shape_cast %get3A_114 : vector<1x16xf32> to vector<16xf32>
          %add3A_116 = arith.addf %scan3A_88, %get3A_115 : vector<16xf32>
          %scan3A_117 = arith.constant 1 : i32
          %scan3A_118 = arith.addi %scan3A_84, %scan3A_117 : i32
          %mul3A_119 = arith.constant 64 : i32
          %mul3A_120 = arith.muli %scan3A_57, %mul3A_119 : i32
          %mul3A_121 = arith.constant 2 : i32
          %mul3A_122 = arith.muli %mul3A_121, %scan3A_118 : i32
          %add3A_123 = arith.addi %mul3A_120, %mul3A_122 : i32
          %get3A_124 = arith.index_cast %add3A_123 : i32 to index
          %get3A_125 = arith.constant 0 : index
          %get3A_126 = tpu.vector_load %arg7[%get3A_124, %get3A_125] {strides = array<i32>} : memref<256x128xf32, #tpu.memory_space<vmem>>, vector<1x16xf32>,
          %get3A_127 = vector.shape_cast %get3A_126 : vector<1x16xf32> to vector<16xf32>
          %add3A_128 = arith.addf %add3A_97, %get3A_127 : vector<16xf32>
          %get3A_129 = arith.index_cast %add3A_123 : i32 to index
          %get3A_130 = arith.constant 16 : index
          %get3A_131 = tpu.vector_load %arg7[%get3A_129, %get3A_130] {strides = array<i32>} : memref<256x128xf32, #tpu.memory_space<vmem>>, vector<1x16xf32>,
          %get3A_132 = vector.shape_cast %get3A_131 : vector<1x16xf32> to vector<16xf32>
          %add3A_133 = arith.addf %add3A_102, %get3A_132 : vector<16xf32>
          %add3A_134 = arith.constant 1 : i32
          %add3A_135 = arith.addi %add3A_123, %add3A_134 : i32
          %get3A_136 = arith.index_cast %add3A_135 : i32 to index
          %get3A_137 = arith.constant 0 : index
          %get3A_138 = tpu.vector_load %arg7[%get3A_136, %get3A_137] {strides = array<i32>} : memref<256x128xf32, #tpu.memory_space<vmem>>, vector<1x16xf32>,
          %get3A_139 = vector.shape_cast %get3A_138 : vector<1x16xf32> to vector<16xf32>
          %add3A_140 = arith.addf %add3A_109, %get3A_139 : vector<16xf32>
          %add3A_141 = arith.constant 1 : i32
          %add3A_142 = arith.addi %add3A_123, %add3A_141 : i32
          %get3A_143 = arith.index_cast %add3A_142 : i32 to index
          %get3A_144 = arith.constant 16 : index
          %get3A_145 = tpu.vector_load %arg7[%get3A_143, %get3A_144] {strides = array<i32>} : memref<256x128xf32, #tpu.memory_space<vmem>>, vector<1x16xf32>,
          %get3A_146 = vector.shape_cast %get3A_145 : vector<1x16xf32> to vector<16xf32>
          %add3A_147 = arith.addf %add3A_116, %get3A_146 : vector<16xf32>
          %scan3A_148 = arith.constant 2 : i32
          %scan3A_149 = arith.addi %scan3A_84, %scan3A_148 : i32
          %mul3A_150 = arith.constant 64 : i32
          %mul3A_151 = arith.muli %scan3A_57, %mul3A_150 : i32
          %mul3A_152 = arith.constant 2 : i32
          %mul3A_153 = arith.muli %mul3A_152, %scan3A_149 : i32
          %add3A_154 = arith.addi %mul3A_151, %mul3A_153 : i32
          %get3A_155 = arith.index_cast %add3A_154 : i32 to index
          %get3A_156 = arith.constant 0 : index
          %get3A_157 = tpu.vector_load %arg7[%get3A_155, %get3A_156] {strides = array<i32>} : memref<256x128xf32, #tpu.memory_space<vmem>>, vector<1x16xf32>,
          %get3A_158 = vector.shape_cast %get3A_157 : vector<1x16xf32> to vector<16xf32>
          %add3A_159 = arith.addf %add3A_128, %get3A_158 : vector<16xf32>
          %get3A_160 = arith.index_cast %add3A_154 : i32 to index
          %get3A_161 = arith.constant 16 : index
          %get3A_162 = tpu.vector_load %arg7[%get3A_160, %get3A_161] {strides = array<i32>} : memref<256x128xf32, #tpu.memory_space<vmem>>, vector<1x16xf32>,
          %get3A_163 = vector.shape_cast %get3A_162 : vector<1x16xf32> to vector<16xf32>
          %add3A_164 = arith.addf %add3A_133, %get3A_163 : vector<16xf32>
          %add3A_165 = arith.constant 1 : i32
          %add3A_166 = arith.addi %add3A_154, %add3A_165 : i32
          %get3A_167 = arith.index_cast %add3A_166 : i32 to index
          %get3A_168 = arith.constant 0 : index
          %get3A_169 = tpu.vector_load %arg7[%get3A_167, %get3A_168] {strides = array<i32>} : memref<256x128xf32, #tpu.memory_space<vmem>>, vector<1x16xf32>,
          %get3A_170 = vector.shape_cast %get3A_169 : vector<1x16xf32> to vector<16xf32>
          %add3A_171 = arith.addf %add3A_140, %get3A_170 : vector<16xf32>
          %add3A_172 = arith.constant 1 : i32
          %add3A_173 = arith.addi %add3A_154, %add3A_172 : i32
          %get3A_174 = arith.index_cast %add3A_173 : i32 to index
          %get3A_175 = arith.constant 16 : index
          %get3A_176 = tpu.vector_load %arg7[%get3A_174, %get3A_175] {strides = array<i32>} : memref<256x128xf32, #tpu.memory_space<vmem>>, vector<1x16xf32>,
          %get3A_177 = vector.shape_cast %get3A_176 : vector<1x16xf32> to vector<16xf32>
          %add3A_178 = arith.addf %add3A_147, %get3A_177 : vector<16xf32>
          %scan3A_179 = arith.constant 3 : i32
          %scan3A_180 = arith.addi %scan3A_84, %scan3A_179 : i32
          %mul3A_181 = arith.constant 64 : i32
          %mul3A_182 = arith.muli %scan3A_57, %mul3A_181 : i32
          %mul3A_183 = arith.constant 2 : i32
          %mul3A_184 = arith.muli %mul3A_183, %scan3A_180 : i32
          %add3A_185 = arith.addi %mul3A_182, %mul3A_184 : i32
          %get3A_186 = arith.index_cast %add3A_185 : i32 to index
          %get3A_187 = arith.constant 0 : index
          %get3A_188 = tpu.vector_load %arg7[%get3A_186, %get3A_187] {strides = array<i32>} : memref<256x128xf32, #tpu.memory_space<vmem>>, vector<1x16xf32>,
          %get3A_189 = vector.shape_cast %get3A_188 : vector<1x16xf32> to vector<16xf32>
          %add3A_190 = arith.addf %add3A_159, %get3A_189 : vector<16xf32>
          %get3A_191 = arith.index_cast %add3A_185 : i32 to index
          %get3A_192 = arith.constant 16 : index
          %get3A_193 = tpu.vector_load %arg7[%get3A_191, %get3A_192] {strides = array<i32>} : memref<256x128xf32, #tpu.memory_space<vmem>>, vector<1x16xf32>,
          %get3A_194 = vector.shape_cast %get3A_193 : vector<1x16xf32> to vector<16xf32>
          %add3A_195 = arith.addf %add3A_164, %get3A_194 : vector<16xf32>
          %add3A_196 = arith.constant 1 : i32
          %add3A_197 = arith.addi %add3A_185, %add3A_196 : i32
          %get3A_198 = arith.index_cast %add3A_197 : i32 to index
          %get3A_199 = arith.constant 0 : index
          %get3A_200 = tpu.vector_load %arg7[%get3A_198, %get3A_199] {strides = array<i32>} : memref<256x128xf32, #tpu.memory_space<vmem>>, vector<1x16xf32>,
          %get3A_201 = vector.shape_cast %get3A_200 : vector<1x16xf32> to vector<16xf32>
          %add3A_202 = arith.addf %add3A_171, %get3A_201 : vector<16xf32>
          %add3A_203 = arith.constant 1 : i32
          %add3A_204 = arith.addi %add3A_185, %add3A_203 : i32
          %get3A_205 = arith.index_cast %add3A_204 : i32 to index
          %get3A_206 = arith.constant 16 : index
          %get3A_207 = tpu.vector_load %arg7[%get3A_205, %get3A_206] {strides = array<i32>} : memref<256x128xf32, #tpu.memory_space<vmem>>, vector<1x16xf32>,
          %get3A_208 = vector.shape_cast %get3A_207 : vector<1x16xf32> to vector<16xf32>
          %add3A_209 = arith.addf %add3A_178, %get3A_208 : vector<16xf32>
          %scan3A_210 = arith.constant 4 : i32
          %scan3A_211 = arith.addi %scan3A_84, %scan3A_210 : i32
          %mul3A_212 = arith.constant 64 : i32
          %mul3A_213 = arith.muli %scan3A_57, %mul3A_212 : i32
          %mul3A_214 = arith.constant 2 : i32
          %mul3A_215 = arith.muli %mul3A_214, %scan3A_211 : i32
          %add3A_216 = arith.addi %mul3A_213, %mul3A_215 : i32
          %get3A_217 = arith.index_cast %add3A_216 : i32 to index
          %get3A_218 = arith.constant 0 : index
          %get3A_219 = tpu.vector_load %arg7[%get3A_217, %get3A_218] {strides = array<i32>} : memref<256x128xf32, #tpu.memory_space<vmem>>, vector<1x16xf32>,
          %get3A_220 = vector.shape_cast %get3A_219 : vector<1x16xf32> to vector<16xf32>
          %add3A_221 = arith.addf %add3A_190, %get3A_220 : vector<16xf32>
          %get3A_222 = arith.index_cast %add3A_216 : i32 to index
          %get3A_223 = arith.constant 16 : index
          %get3A_224 = tpu.vector_load %arg7[%get3A_222, %get3A_223] {strides = array<i32>} : memref<256x128xf32, #tpu.memory_space<vmem>>, vector<1x16xf32>,
          %get3A_225 = vector.shape_cast %get3A_224 : vector<1x16xf32> to vector<16xf32>
          %add3A_226 = arith.addf %add3A_195, %get3A_225 : vector<16xf32>
          %add3A_227 = arith.constant 1 : i32
          %add3A_228 = arith.addi %add3A_216, %add3A_227 : i32
          %get3A_229 = arith.index_cast %add3A_228 : i32 to index
          %get3A_230 = arith.constant 0 : index
          %get3A_231 = tpu.vector_load %arg7[%get3A_229, %get3A_230] {strides = array<i32>} : memref<256x128xf32, #tpu.memory_space<vmem>>, vector<1x16xf32>,
          %get3A_232 = vector.shape_cast %get3A_231 : vector<1x16xf32> to vector<16xf32>
          %add3A_233 = arith.addf %add3A_202, %get3A_232 : vector<16xf32>
          %add3A_234 = arith.constant 1 : i32
          %add3A_235 = arith.addi %add3A_216, %add3A_234 : i32
          %get3A_236 = arith.index_cast %add3A_235 : i32 to index
          %get3A_237 = arith.constant 16 : index
          %get3A_238 = tpu.vector_load %arg7[%get3A_236, %get3A_237] {strides = array<i32>} : memref<256x128xf32, #tpu.memory_space<vmem>>, vector<1x16xf32>,
          %get3A_239 = vector.shape_cast %get3A_238 : vector<1x16xf32> to vector<16xf32>
          %add3A_240 = arith.addf %add3A_209, %get3A_239 : vector<16xf32>
          %scan3A_241 = arith.constant 5 : i32
          %scan3A_242 = arith.addi %scan3A_84, %scan3A_241 : i32
          %mul3A_243 = arith.constant 64 : i32
          %mul3A_244 = arith.muli %scan3A_57, %mul3A_243 : i32
          %mul3A_245 = arith.constant 2 : i32
          %mul3A_246 = arith.muli %mul3A_245, %scan3A_242 : i32
          %add3A_247 = arith.addi %mul3A_244, %mul3A_246 : i32
          %get3A_248 = arith.index_cast %add3A_247 : i32 to index
          %get3A_249 = arith.constant 0 : index
          %get3A_250 = tpu.vector_load %arg7[%get3A_248, %get3A_249] {strides = array<i32>} : memref<256x128xf32, #tpu.memory_space<vmem>>, vector<1x16xf32>,
          %get3A_251 = vector.shape_cast %get3A_250 : vector<1x16xf32> to vector<16xf32>
          %add3A_252 = arith.addf %add3A_221, %get3A_251 : vector<16xf32>
          %get3A_253 = arith.index_cast %add3A_247 : i32 to index
          %get3A_254 = arith.constant 16 : index
          %get3A_255 = tpu.vector_load %arg7[%get3A_253, %get3A_254] {strides = array<i32>} : memref<256x128xf32, #tpu.memory_space<vmem>>, vector<1x16xf32>,
          %get3A_256 = vector.shape_cast %get3A_255 : vector<1x16xf32> to vector<16xf32>
          %add3A_257 = arith.addf %add3A_226, %get3A_256 : vector<16xf32>
          %add3A_258 = arith.constant 1 : i32
          %add3A_259 = arith.addi %add3A_247, %add3A_258 : i32
          %get3A_260 = arith.index_cast %add3A_259 : i32 to index
          %get3A_261 = arith.constant 0 : index
          %get3A_262 = tpu.vector_load %arg7[%get3A_260, %get3A_261] {strides = array<i32>} : memref<256x128xf32, #tpu.memory_space<vmem>>, vector<1x16xf32>,
          %get3A_263 = vector.shape_cast %get3A_262 : vector<1x16xf32> to vector<16xf32>
          %add3A_264 = arith.addf %add3A_233, %get3A_263 : vector<16xf32>
          %add3A_265 = arith.constant 1 : i32
          %add3A_266 = arith.addi %add3A_247, %add3A_265 : i32
          %get3A_267 = arith.index_cast %add3A_266 : i32 to index
          %get3A_268 = arith.constant 16 : index
          %get3A_269 = tpu.vector_load %arg7[%get3A_267, %get3A_268] {strides = array<i32>} : memref<256x128xf32, #tpu.memory_space<vmem>>, vector<1x16xf32>,
          %get3A_270 = vector.shape_cast %get3A_269 : vector<1x16xf32> to vector<16xf32>
          %add3A_271 = arith.addf %add3A_240, %get3A_270 : vector<16xf32>
          %scan3A_272 = arith.constant 6 : i32
          %scan3A_273 = arith.addi %scan3A_84, %scan3A_272 : i32
          %mul3A_274 = arith.constant 64 : i32
          %mul3A_275 = arith.muli %scan3A_57, %mul3A_274 : i32
          %mul3A_276 = arith.constant 2 : i32
          %mul3A_277 = arith.muli %mul3A_276, %scan3A_273 : i32
          %add3A_278 = arith.addi %mul3A_275, %mul3A_277 : i32
          %get3A_279 = arith.index_cast %add3A_278 : i32 to index
          %get3A_280 = arith.constant 0 : index
          %get3A_281 = tpu.vector_load %arg7[%get3A_279, %get3A_280] {strides = array<i32>} : memref<256x128xf32, #tpu.memory_space<vmem>>, vector<1x16xf32>,
          %get3A_282 = vector.shape_cast %get3A_281 : vector<1x16xf32> to vector<16xf32>
          %add3A_283 = arith.addf %add3A_252, %get3A_282 : vector<16xf32>
          %get3A_284 = arith.index_cast %add3A_278 : i32 to index
          %get3A_285 = arith.constant 16 : index
          %get3A_286 = tpu.vector_load %arg7[%get3A_284, %get3A_285] {strides = array<i32>} : memref<256x128xf32, #tpu.memory_space<vmem>>, vector<1x16xf32>,
          %get3A_287 = vector.shape_cast %get3A_286 : vector<1x16xf32> to vector<16xf32>
          %add3A_288 = arith.addf %add3A_257, %get3A_287 : vector<16xf32>
          %add3A_289 = arith.constant 1 : i32
          %add3A_290 = arith.addi %add3A_278, %add3A_289 : i32
          %get3A_291 = arith.index_cast %add3A_290 : i32 to index
          %get3A_292 = arith.constant 0 : index
          %get3A_293 = tpu.vector_load %arg7[%get3A_291, %get3A_292] {strides = array<i32>} : memref<256x128xf32, #tpu.memory_space<vmem>>, vector<1x16xf32>,
          %get3A_294 = vector.shape_cast %get3A_293 : vector<1x16xf32> to vector<16xf32>
          %add3A_295 = arith.addf %add3A_264, %get3A_294 : vector<16xf32>
          %add3A_296 = arith.constant 1 : i32
          %add3A_297 = arith.addi %add3A_278, %add3A_296 : i32
          %get3A_298 = arith.index_cast %add3A_297 : i32 to index
          %get3A_299 = arith.constant 16 : index
          %get3A_300 = tpu.vector_load %arg7[%get3A_298, %get3A_299] {strides = array<i32>} : memref<256x128xf32, #tpu.memory_space<vmem>>, vector<1x16xf32>,
          %get3A_301 = vector.shape_cast %get3A_300 : vector<1x16xf32> to vector<16xf32>
          %add3A_302 = arith.addf %add3A_271, %get3A_301 : vector<16xf32>
          %scan3A_303 = arith.constant 7 : i32
          %scan3A_304 = arith.addi %scan3A_84, %scan3A_303 : i32
          %mul3A_305 = arith.constant 64 : i32
          %mul3A_306 = arith.muli %scan3A_57, %mul3A_305 : i32
          %mul3A_307 = arith.constant 2 : i32
          %mul3A_308 = arith.muli %mul3A_307, %scan3A_304 : i32
          %add3A_309 = arith.addi %mul3A_306, %mul3A_308 : i32
          %get3A_310 = arith.index_cast %add3A_309 : i32 to index
          %get3A_311 = arith.constant 0 : index
          %get3A_312 = tpu.vector_load %arg7[%get3A_310, %get3A_311] {strides = array<i32>} : memref<256x128xf32, #tpu.memory_space<vmem>>, vector<1x16xf32>,
          %get3A_313 = vector.shape_cast %get3A_312 : vector<1x16xf32> to vector<16xf32>
          %add3A_314 = arith.addf %add3A_283, %get3A_313 : vector<16xf32>
          %get3A_315 = arith.index_cast %add3A_309 : i32 to index
          %get3A_316 = arith.constant 16 : index
          %get3A_317 = tpu.vector_load %arg7[%get3A_315, %get3A_316] {strides = array<i32>} : memref<256x128xf32, #tpu.memory_space<vmem>>, vector<1x16xf32>,
          %get3A_318 = vector.shape_cast %get3A_317 : vector<1x16xf32> to vector<16xf32>
          %add3A_319 = arith.addf %add3A_288, %get3A_318 : vector<16xf32>
          %add3A_320 = arith.constant 1 : i32
          %add3A_321 = arith.addi %add3A_309, %add3A_320 : i32
          %get3A_322 = arith.index_cast %add3A_321 : i32 to index
          %get3A_323 = arith.constant 0 : index
          %get3A_324 = tpu.vector_load %arg7[%get3A_322, %get3A_323] {strides = array<i32>} : memref<256x128xf32, #tpu.memory_space<vmem>>, vector<1x16xf32>,
          %get3A_325 = vector.shape_cast %get3A_324 : vector<1x16xf32> to vector<16xf32>
          %add3A_326 = arith.addf %add3A_295, %get3A_325 : vector<16xf32>
          %add3A_327 = arith.constant 1 : i32
          %add3A_328 = arith.addi %add3A_309, %add3A_327 : i32
          %get3A_329 = arith.index_cast %add3A_328 : i32 to index
          %get3A_330 = arith.constant 16 : index
          %get3A_331 = tpu.vector_load %arg7[%get3A_329, %get3A_330] {strides = array<i32>} : memref<256x128xf32, #tpu.memory_space<vmem>>, vector<1x16xf32>,
          %get3A_332 = vector.shape_cast %get3A_331 : vector<1x16xf32> to vector<16xf32>
          %add3A_333 = arith.addf %add3A_302, %get3A_332 : vector<16xf32>
          scf.yield %add3A_314, %add3A_319, %add3A_326, %add3A_333 : vector<16xf32>, vector<16xf32>, vector<16xf32>, vector<16xf32>
        }
        %scan3A_65 = arith.constant 32 : i32
        %add3A_66 = arith.addf %scan3A_64#0, %scan3A_64#2 : vector<16xf32>
        %mul3A_67 = arith.constant 4 : i32
        %mul3A_68 = arith.muli %mul3A_20, %mul3A_67 : i32
        %add3A_69 = arith.addi %mul3A_68, %scan3A_57 : i32
        %swap3A = arith.index_cast %add3A_69 : i32 to index
        %swap3A_70 = arith.constant 0 : index
        %swap3A_71 = tpu.vector_load %arg9[%swap3A, %swap3A_70] {strides = array<i32>} : memref<256x32xf32, #tpu.memory_space<vmem>>, vector<1x16xf32>,
        %swap3A_72 = vector.shape_cast %swap3A_71 : vector<1x16xf32> to vector<16xf32>
        %swap3A_73 = vector.shape_cast %add3A_66 : vector<16xf32> to vector<1x16xf32>
        tpu.vector_store %arg9[%swap3A, %swap3A_70], %swap3A_73 {strides = array<i32>} : memref<256x32xf32, #tpu.memory_space<vmem>>, vector<1x16xf32>,
        %add3A_74 = arith.addf %scan3A_64#1, %scan3A_64#3 : vector<16xf32>
        %mul3A_75 = arith.constant 4 : i32
        %mul3A_76 = arith.muli %mul3A_20, %mul3A_75 : i32
        %add3A_77 = arith.addi %mul3A_76, %scan3A_57 : i32
        %swap3A_78 = arith.index_cast %add3A_77 : i32 to index
        %swap3A_79 = arith.constant 16 : index
        %swap3A_80 = tpu.vector_load %arg9[%swap3A_78, %swap3A_79] {strides = array<i32>} : memref<256x32xf32, #tpu.memory_space<vmem>>, vector<1x16xf32>,
        %swap3A_81 = vector.shape_cast %swap3A_80 : vector<1x16xf32> to vector<16xf32>
        %swap3A_82 = vector.shape_cast %add3A_74 : vector<16xf32> to vector<1x16xf32>
        tpu.vector_store %arg9[%swap3A_78, %swap3A_79], %swap3A_82 {strides = array<i32>} : memref<256x32xf32, #tpu.memory_space<vmem>>, vector<1x16xf32>,
        %scan3A_83 = arith.constant 0 : i32
        scf.yield %scan3A_83 : i32
      }
      %scan3A_37 = arith.constant 4 : i32
      %add3A_38 = arith.constant 2 : i32
      %add3A_39 = arith.addi %mul3A_20, %add3A_38 : i32
      %lt3A = arith.constant 64 : i32
      %lt3A_40 = arith.cmpi slt, %add3A_39, %lt3A : i32
      %convert_element_type3A = arith.extui %lt3A_40 : i1 to i32
      %cond3A = arith.constant 0 : i32
      %cond3A_41 = arith.cmpi ne, %convert_element_type3A, %cond3A : i32
      scf.if %cond3A_41 {
        %add3A_57 = arith.constant 2 : i32
        %add3A_58 = arith.addi %mul3A_20, %add3A_57 : i32
        %mul3A_59 = arith.constant 256 : i32
        %mul3A_60 = arith.muli %add3A_58, %mul3A_59 : i32
        %add3A_61 = arith.addi %mul3A_4, %mul3A_60 : i32
        "tpu.region"() ({
          %run_scoped3A = tpu.sem_alloc : memref<!tpu.dma_semaphore, #tpu.memory_space<semaphore_mem>>
          %dma_start3A_65 = tpu.memref_slice %arg3[%add3A_61] : memref<524288xi32, #tpu.memory_space<hbm>> -> memref<256xi32, #tpu.memory_space<hbm>>
          %dma_start3A_66 = tpu.memref_slice %arg3[%add3A_61] : memref<524288xi32, #tpu.memory_space<hbm>> -> memref<256xi32, #tpu.memory_space<hbm>>
          tpu.enqueue_dma source(%dma_start3A_66 : memref<256xi32, #tpu.memory_space<hbm>>) target(%arg5 : memref<256xi32, #tpu.memory_space<vmem>>) target_semaphore(%run_scoped3A : memref<!tpu.dma_semaphore, #tpu.memory_space<semaphore_mem>>)
          %dma_wait3A_67 = tpu.memref_slice %arg3[%add3A_61] : memref<524288xi32, #tpu.memory_space<hbm>> -> memref<256xi32, #tpu.memory_space<hbm>>
          %dma_wait3A_68 = tpu.memref_slice %arg3[%add3A_61] : memref<524288xi32, #tpu.memory_space<hbm>> -> memref<256xi32, #tpu.memory_space<hbm>>
          tpu.wait_dma2 semaphore(%run_scoped3A : memref<!tpu.dma_semaphore, #tpu.memory_space<semaphore_mem>>) src(%dma_wait3A_68 : memref<256xi32, #tpu.memory_space<hbm>>) dst(%arg5 : memref<256xi32, #tpu.memory_space<vmem>>)
          tpu.yield
        }) : () -> ()
        %dma_start3A_62 = arith.constant 0 : i32
        %dma_start3A_63 = arith.constant 0 : i32
        %dma_start3A_64 = tpu.memref_slice %arg2[%dma_start3A_62, %dma_start3A_63] : memref<155522x128xf32, #tpu.memory_space<hbm>> -> memref<155522x128xf32, #tpu.memory_space<hbm>>
        tpu.enqueue_indirect_dma source(%dma_start3A_64 : memref<155522x128xf32, #tpu.memory_space<hbm>>) target(%arg7 : memref<256x128xf32, #tpu.memory_space<vmem>>) offsets(%arg5 : memref<256xi32, #tpu.memory_space<vmem>>) semaphore(%arg10 : memref<!tpu.dma_semaphore, #tpu.memory_space<semaphore_mem>>)
      } else {
      }
      %add3A_42 = arith.constant 1 : i32
      %add3A_43 = arith.addi %mul3A_20, %add3A_42 : i32
      %dma_wait3A_44 = arith.constant 0 : i32
      %dma_wait3A_45 = arith.constant 0 : i32
      %dma_wait3A_46 = tpu.memref_slice %arg2[%dma_wait3A_44, %dma_wait3A_45] : memref<155522x128xf32, #tpu.memory_space<hbm>> -> memref<155522x128xf32, #tpu.memory_space<hbm>>
      tpu.wait_indirect_dma semaphore(%arg11 : memref<!tpu.dma_semaphore, #tpu.memory_space<semaphore_mem>>) src(%dma_wait3A_46 : memref<155522x128xf32, #tpu.memory_space<hbm>>) dst(%arg8 : memref<256x128xf32, #tpu.memory_space<vmem>>)
      %add3A_47 = arith.constant 1 : i32
      %add3A_48 = arith.addi %mul3A_20, %add3A_47 : i32
      %scan3A_49 = arith.constant 0 : i32
      %scan3A_50 = arith.constant 0 : i32
      %scan3A_51 = arith.constant 4 : i32
      %scan3A_52 = arith.addi %scan3A_50, %scan3A_51 : i32
      %scan3A_53 = arith.constant 1 : i32
      %scan3A_54 = scf.for %scan3A_57 = %scan3A_50 to %scan3A_52 step %scan3A_53 iter_args(%scan3A_58 = %scan3A_49) -> (i32)  : i32 {
        %broadcast_in_dim3A = arith.constant 0.000000e+00 : f32
        %broadcast_in_dim3A_59 = vector.broadcast %broadcast_in_dim3A : f32 to vector<16xf32>
        %scan3A_60 = arith.constant 0 : i32
        %scan3A_61 = arith.constant 32 : i32
        %scan3A_62 = arith.addi %scan3A_60, %scan3A_61 : i32
        %scan3A_63 = arith.constant 8 : i32
        %scan3A_64:4 = scf.for %scan3A_84 = %scan3A_60 to %scan3A_62 step %scan3A_63 iter_args(%scan3A_85 = %broadcast_in_dim3A_59, %scan3A_86 = %broadcast_in_dim3A_59, %scan3A_87 = %broadcast_in_dim3A_59, %scan3A_88 = %broadcast_in_dim3A_59) -> (vector<16xf32>, vector<16xf32>, vector<16xf32>, vector<16xf32>)  : i32 {
          %mul3A_89 = arith.constant 64 : i32
          %mul3A_90 = arith.muli %scan3A_57, %mul3A_89 : i32
          %mul3A_91 = arith.constant 2 : i32
          %mul3A_92 = arith.muli %mul3A_91, %scan3A_84 : i32
          %add3A_93 = arith.addi %mul3A_90, %mul3A_92 : i32
          %get3A = arith.index_cast %add3A_93 : i32 to index
          %get3A_94 = arith.constant 0 : index
          %get3A_95 = tpu.vector_load %arg8[%get3A, %get3A_94] {strides = array<i32>} : memref<256x128xf32, #tpu.memory_space<vmem>>, vector<1x16xf32>,
          %get3A_96 = vector.shape_cast %get3A_95 : vector<1x16xf32> to vector<16xf32>
          %add3A_97 = arith.addf %scan3A_85, %get3A_96 : vector<16xf32>
          %get3A_98 = arith.index_cast %add3A_93 : i32 to index
          %get3A_99 = arith.constant 16 : index
          %get3A_100 = tpu.vector_load %arg8[%get3A_98, %get3A_99] {strides = array<i32>} : memref<256x128xf32, #tpu.memory_space<vmem>>, vector<1x16xf32>,
          %get3A_101 = vector.shape_cast %get3A_100 : vector<1x16xf32> to vector<16xf32>
          %add3A_102 = arith.addf %scan3A_86, %get3A_101 : vector<16xf32>
          %add3A_103 = arith.constant 1 : i32
          %add3A_104 = arith.addi %add3A_93, %add3A_103 : i32
          %get3A_105 = arith.index_cast %add3A_104 : i32 to index
          %get3A_106 = arith.constant 0 : index
          %get3A_107 = tpu.vector_load %arg8[%get3A_105, %get3A_106] {strides = array<i32>} : memref<256x128xf32, #tpu.memory_space<vmem>>, vector<1x16xf32>,
          %get3A_108 = vector.shape_cast %get3A_107 : vector<1x16xf32> to vector<16xf32>
          %add3A_109 = arith.addf %scan3A_87, %get3A_108 : vector<16xf32>
          %add3A_110 = arith.constant 1 : i32
          %add3A_111 = arith.addi %add3A_93, %add3A_110 : i32
          %get3A_112 = arith.index_cast %add3A_111 : i32 to index
          %get3A_113 = arith.constant 16 : index
          %get3A_114 = tpu.vector_load %arg8[%get3A_112, %get3A_113] {strides = array<i32>} : memref<256x128xf32, #tpu.memory_space<vmem>>, vector<1x16xf32>,
          %get3A_115 = vector.shape_cast %get3A_114 : vector<1x16xf32> to vector<16xf32>
          %add3A_116 = arith.addf %scan3A_88, %get3A_115 : vector<16xf32>
          %scan3A_117 = arith.constant 1 : i32
          %scan3A_118 = arith.addi %scan3A_84, %scan3A_117 : i32
          %mul3A_119 = arith.constant 64 : i32
          %mul3A_120 = arith.muli %scan3A_57, %mul3A_119 : i32
          %mul3A_121 = arith.constant 2 : i32
          %mul3A_122 = arith.muli %mul3A_121, %scan3A_118 : i32
          %add3A_123 = arith.addi %mul3A_120, %mul3A_122 : i32
          %get3A_124 = arith.index_cast %add3A_123 : i32 to index
          %get3A_125 = arith.constant 0 : index
          %get3A_126 = tpu.vector_load %arg8[%get3A_124, %get3A_125] {strides = array<i32>} : memref<256x128xf32, #tpu.memory_space<vmem>>, vector<1x16xf32>,
          %get3A_127 = vector.shape_cast %get3A_126 : vector<1x16xf32> to vector<16xf32>
          %add3A_128 = arith.addf %add3A_97, %get3A_127 : vector<16xf32>
          %get3A_129 = arith.index_cast %add3A_123 : i32 to index
          %get3A_130 = arith.constant 16 : index
          %get3A_131 = tpu.vector_load %arg8[%get3A_129, %get3A_130] {strides = array<i32>} : memref<256x128xf32, #tpu.memory_space<vmem>>, vector<1x16xf32>,
          %get3A_132 = vector.shape_cast %get3A_131 : vector<1x16xf32> to vector<16xf32>
          %add3A_133 = arith.addf %add3A_102, %get3A_132 : vector<16xf32>
          %add3A_134 = arith.constant 1 : i32
          %add3A_135 = arith.addi %add3A_123, %add3A_134 : i32
          %get3A_136 = arith.index_cast %add3A_135 : i32 to index
          %get3A_137 = arith.constant 0 : index
          %get3A_138 = tpu.vector_load %arg8[%get3A_136, %get3A_137] {strides = array<i32>} : memref<256x128xf32, #tpu.memory_space<vmem>>, vector<1x16xf32>,
          %get3A_139 = vector.shape_cast %get3A_138 : vector<1x16xf32> to vector<16xf32>
          %add3A_140 = arith.addf %add3A_109, %get3A_139 : vector<16xf32>
          %add3A_141 = arith.constant 1 : i32
          %add3A_142 = arith.addi %add3A_123, %add3A_141 : i32
          %get3A_143 = arith.index_cast %add3A_142 : i32 to index
          %get3A_144 = arith.constant 16 : index
          %get3A_145 = tpu.vector_load %arg8[%get3A_143, %get3A_144] {strides = array<i32>} : memref<256x128xf32, #tpu.memory_space<vmem>>, vector<1x16xf32>,
          %get3A_146 = vector.shape_cast %get3A_145 : vector<1x16xf32> to vector<16xf32>
          %add3A_147 = arith.addf %add3A_116, %get3A_146 : vector<16xf32>
          %scan3A_148 = arith.constant 2 : i32
          %scan3A_149 = arith.addi %scan3A_84, %scan3A_148 : i32
          %mul3A_150 = arith.constant 64 : i32
          %mul3A_151 = arith.muli %scan3A_57, %mul3A_150 : i32
          %mul3A_152 = arith.constant 2 : i32
          %mul3A_153 = arith.muli %mul3A_152, %scan3A_149 : i32
          %add3A_154 = arith.addi %mul3A_151, %mul3A_153 : i32
          %get3A_155 = arith.index_cast %add3A_154 : i32 to index
          %get3A_156 = arith.constant 0 : index
          %get3A_157 = tpu.vector_load %arg8[%get3A_155, %get3A_156] {strides = array<i32>} : memref<256x128xf32, #tpu.memory_space<vmem>>, vector<1x16xf32>,
          %get3A_158 = vector.shape_cast %get3A_157 : vector<1x16xf32> to vector<16xf32>
          %add3A_159 = arith.addf %add3A_128, %get3A_158 : vector<16xf32>
          %get3A_160 = arith.index_cast %add3A_154 : i32 to index
          %get3A_161 = arith.constant 16 : index
          %get3A_162 = tpu.vector_load %arg8[%get3A_160, %get3A_161] {strides = array<i32>} : memref<256x128xf32, #tpu.memory_space<vmem>>, vector<1x16xf32>,
          %get3A_163 = vector.shape_cast %get3A_162 : vector<1x16xf32> to vector<16xf32>
          %add3A_164 = arith.addf %add3A_133, %get3A_163 : vector<16xf32>
          %add3A_165 = arith.constant 1 : i32
          %add3A_166 = arith.addi %add3A_154, %add3A_165 : i32
          %get3A_167 = arith.index_cast %add3A_166 : i32 to index
          %get3A_168 = arith.constant 0 : index
          %get3A_169 = tpu.vector_load %arg8[%get3A_167, %get3A_168] {strides = array<i32>} : memref<256x128xf32, #tpu.memory_space<vmem>>, vector<1x16xf32>,
          %get3A_170 = vector.shape_cast %get3A_169 : vector<1x16xf32> to vector<16xf32>
          %add3A_171 = arith.addf %add3A_140, %get3A_170 : vector<16xf32>
          %add3A_172 = arith.constant 1 : i32
          %add3A_173 = arith.addi %add3A_154, %add3A_172 : i32
          %get3A_174 = arith.index_cast %add3A_173 : i32 to index
          %get3A_175 = arith.constant 16 : index
          %get3A_176 = tpu.vector_load %arg8[%get3A_174, %get3A_175] {strides = array<i32>} : memref<256x128xf32, #tpu.memory_space<vmem>>, vector<1x16xf32>,
          %get3A_177 = vector.shape_cast %get3A_176 : vector<1x16xf32> to vector<16xf32>
          %add3A_178 = arith.addf %add3A_147, %get3A_177 : vector<16xf32>
          %scan3A_179 = arith.constant 3 : i32
          %scan3A_180 = arith.addi %scan3A_84, %scan3A_179 : i32
          %mul3A_181 = arith.constant 64 : i32
          %mul3A_182 = arith.muli %scan3A_57, %mul3A_181 : i32
          %mul3A_183 = arith.constant 2 : i32
          %mul3A_184 = arith.muli %mul3A_183, %scan3A_180 : i32
          %add3A_185 = arith.addi %mul3A_182, %mul3A_184 : i32
          %get3A_186 = arith.index_cast %add3A_185 : i32 to index
          %get3A_187 = arith.constant 0 : index
          %get3A_188 = tpu.vector_load %arg8[%get3A_186, %get3A_187] {strides = array<i32>} : memref<256x128xf32, #tpu.memory_space<vmem>>, vector<1x16xf32>,
          %get3A_189 = vector.shape_cast %get3A_188 : vector<1x16xf32> to vector<16xf32>
          %add3A_190 = arith.addf %add3A_159, %get3A_189 : vector<16xf32>
          %get3A_191 = arith.index_cast %add3A_185 : i32 to index
          %get3A_192 = arith.constant 16 : index
          %get3A_193 = tpu.vector_load %arg8[%get3A_191, %get3A_192] {strides = array<i32>} : memref<256x128xf32, #tpu.memory_space<vmem>>, vector<1x16xf32>,
          %get3A_194 = vector.shape_cast %get3A_193 : vector<1x16xf32> to vector<16xf32>
          %add3A_195 = arith.addf %add3A_164, %get3A_194 : vector<16xf32>
          %add3A_196 = arith.constant 1 : i32
          %add3A_197 = arith.addi %add3A_185, %add3A_196 : i32
          %get3A_198 = arith.index_cast %add3A_197 : i32 to index
          %get3A_199 = arith.constant 0 : index
          %get3A_200 = tpu.vector_load %arg8[%get3A_198, %get3A_199] {strides = array<i32>} : memref<256x128xf32, #tpu.memory_space<vmem>>, vector<1x16xf32>,
          %get3A_201 = vector.shape_cast %get3A_200 : vector<1x16xf32> to vector<16xf32>
          %add3A_202 = arith.addf %add3A_171, %get3A_201 : vector<16xf32>
          %add3A_203 = arith.constant 1 : i32
          %add3A_204 = arith.addi %add3A_185, %add3A_203 : i32
          %get3A_205 = arith.index_cast %add3A_204 : i32 to index
          %get3A_206 = arith.constant 16 : index
          %get3A_207 = tpu.vector_load %arg8[%get3A_205, %get3A_206] {strides = array<i32>} : memref<256x128xf32, #tpu.memory_space<vmem>>, vector<1x16xf32>,
          %get3A_208 = vector.shape_cast %get3A_207 : vector<1x16xf32> to vector<16xf32>
          %add3A_209 = arith.addf %add3A_178, %get3A_208 : vector<16xf32>
          %scan3A_210 = arith.constant 4 : i32
          %scan3A_211 = arith.addi %scan3A_84, %scan3A_210 : i32
          %mul3A_212 = arith.constant 64 : i32
          %mul3A_213 = arith.muli %scan3A_57, %mul3A_212 : i32
          %mul3A_214 = arith.constant 2 : i32
          %mul3A_215 = arith.muli %mul3A_214, %scan3A_211 : i32
          %add3A_216 = arith.addi %mul3A_213, %mul3A_215 : i32
          %get3A_217 = arith.index_cast %add3A_216 : i32 to index
          %get3A_218 = arith.constant 0 : index
          %get3A_219 = tpu.vector_load %arg8[%get3A_217, %get3A_218] {strides = array<i32>} : memref<256x128xf32, #tpu.memory_space<vmem>>, vector<1x16xf32>,
          %get3A_220 = vector.shape_cast %get3A_219 : vector<1x16xf32> to vector<16xf32>
          %add3A_221 = arith.addf %add3A_190, %get3A_220 : vector<16xf32>
          %get3A_222 = arith.index_cast %add3A_216 : i32 to index
          %get3A_223 = arith.constant 16 : index
          %get3A_224 = tpu.vector_load %arg8[%get3A_222, %get3A_223] {strides = array<i32>} : memref<256x128xf32, #tpu.memory_space<vmem>>, vector<1x16xf32>,
          %get3A_225 = vector.shape_cast %get3A_224 : vector<1x16xf32> to vector<16xf32>
          %add3A_226 = arith.addf %add3A_195, %get3A_225 : vector<16xf32>
          %add3A_227 = arith.constant 1 : i32
          %add3A_228 = arith.addi %add3A_216, %add3A_227 : i32
          %get3A_229 = arith.index_cast %add3A_228 : i32 to index
          %get3A_230 = arith.constant 0 : index
          %get3A_231 = tpu.vector_load %arg8[%get3A_229, %get3A_230] {strides = array<i32>} : memref<256x128xf32, #tpu.memory_space<vmem>>, vector<1x16xf32>,
          %get3A_232 = vector.shape_cast %get3A_231 : vector<1x16xf32> to vector<16xf32>
          %add3A_233 = arith.addf %add3A_202, %get3A_232 : vector<16xf32>
          %add3A_234 = arith.constant 1 : i32
          %add3A_235 = arith.addi %add3A_216, %add3A_234 : i32
          %get3A_236 = arith.index_cast %add3A_235 : i32 to index
          %get3A_237 = arith.constant 16 : index
          %get3A_238 = tpu.vector_load %arg8[%get3A_236, %get3A_237] {strides = array<i32>} : memref<256x128xf32, #tpu.memory_space<vmem>>, vector<1x16xf32>,
          %get3A_239 = vector.shape_cast %get3A_238 : vector<1x16xf32> to vector<16xf32>
          %add3A_240 = arith.addf %add3A_209, %get3A_239 : vector<16xf32>
          %scan3A_241 = arith.constant 5 : i32
          %scan3A_242 = arith.addi %scan3A_84, %scan3A_241 : i32
          %mul3A_243 = arith.constant 64 : i32
          %mul3A_244 = arith.muli %scan3A_57, %mul3A_243 : i32
          %mul3A_245 = arith.constant 2 : i32
          %mul3A_246 = arith.muli %mul3A_245, %scan3A_242 : i32
          %add3A_247 = arith.addi %mul3A_244, %mul3A_246 : i32
          %get3A_248 = arith.index_cast %add3A_247 : i32 to index
          %get3A_249 = arith.constant 0 : index
          %get3A_250 = tpu.vector_load %arg8[%get3A_248, %get3A_249] {strides = array<i32>} : memref<256x128xf32, #tpu.memory_space<vmem>>, vector<1x16xf32>,
          %get3A_251 = vector.shape_cast %get3A_250 : vector<1x16xf32> to vector<16xf32>
          %add3A_252 = arith.addf %add3A_221, %get3A_251 : vector<16xf32>
          %get3A_253 = arith.index_cast %add3A_247 : i32 to index
          %get3A_254 = arith.constant 16 : index
          %get3A_255 = tpu.vector_load %arg8[%get3A_253, %get3A_254] {strides = array<i32>} : memref<256x128xf32, #tpu.memory_space<vmem>>, vector<1x16xf32>,
          %get3A_256 = vector.shape_cast %get3A_255 : vector<1x16xf32> to vector<16xf32>
          %add3A_257 = arith.addf %add3A_226, %get3A_256 : vector<16xf32>
          %add3A_258 = arith.constant 1 : i32
          %add3A_259 = arith.addi %add3A_247, %add3A_258 : i32
          %get3A_260 = arith.index_cast %add3A_259 : i32 to index
          %get3A_261 = arith.constant 0 : index
          %get3A_262 = tpu.vector_load %arg8[%get3A_260, %get3A_261] {strides = array<i32>} : memref<256x128xf32, #tpu.memory_space<vmem>>, vector<1x16xf32>,
          %get3A_263 = vector.shape_cast %get3A_262 : vector<1x16xf32> to vector<16xf32>
          %add3A_264 = arith.addf %add3A_233, %get3A_263 : vector<16xf32>
          %add3A_265 = arith.constant 1 : i32
          %add3A_266 = arith.addi %add3A_247, %add3A_265 : i32
          %get3A_267 = arith.index_cast %add3A_266 : i32 to index
          %get3A_268 = arith.constant 16 : index
          %get3A_269 = tpu.vector_load %arg8[%get3A_267, %get3A_268] {strides = array<i32>} : memref<256x128xf32, #tpu.memory_space<vmem>>, vector<1x16xf32>,
          %get3A_270 = vector.shape_cast %get3A_269 : vector<1x16xf32> to vector<16xf32>
          %add3A_271 = arith.addf %add3A_240, %get3A_270 : vector<16xf32>
          %scan3A_272 = arith.constant 6 : i32
          %scan3A_273 = arith.addi %scan3A_84, %scan3A_272 : i32
          %mul3A_274 = arith.constant 64 : i32
          %mul3A_275 = arith.muli %scan3A_57, %mul3A_274 : i32
          %mul3A_276 = arith.constant 2 : i32
          %mul3A_277 = arith.muli %mul3A_276, %scan3A_273 : i32
          %add3A_278 = arith.addi %mul3A_275, %mul3A_277 : i32
          %get3A_279 = arith.index_cast %add3A_278 : i32 to index
          %get3A_280 = arith.constant 0 : index
          %get3A_281 = tpu.vector_load %arg8[%get3A_279, %get3A_280] {strides = array<i32>} : memref<256x128xf32, #tpu.memory_space<vmem>>, vector<1x16xf32>,
          %get3A_282 = vector.shape_cast %get3A_281 : vector<1x16xf32> to vector<16xf32>
          %add3A_283 = arith.addf %add3A_252, %get3A_282 : vector<16xf32>
          %get3A_284 = arith.index_cast %add3A_278 : i32 to index
          %get3A_285 = arith.constant 16 : index
          %get3A_286 = tpu.vector_load %arg8[%get3A_284, %get3A_285] {strides = array<i32>} : memref<256x128xf32, #tpu.memory_space<vmem>>, vector<1x16xf32>,
          %get3A_287 = vector.shape_cast %get3A_286 : vector<1x16xf32> to vector<16xf32>
          %add3A_288 = arith.addf %add3A_257, %get3A_287 : vector<16xf32>
          %add3A_289 = arith.constant 1 : i32
          %add3A_290 = arith.addi %add3A_278, %add3A_289 : i32
          %get3A_291 = arith.index_cast %add3A_290 : i32 to index
          %get3A_292 = arith.constant 0 : index
          %get3A_293 = tpu.vector_load %arg8[%get3A_291, %get3A_292] {strides = array<i32>} : memref<256x128xf32, #tpu.memory_space<vmem>>, vector<1x16xf32>,
          %get3A_294 = vector.shape_cast %get3A_293 : vector<1x16xf32> to vector<16xf32>
          %add3A_295 = arith.addf %add3A_264, %get3A_294 : vector<16xf32>
          %add3A_296 = arith.constant 1 : i32
          %add3A_297 = arith.addi %add3A_278, %add3A_296 : i32
          %get3A_298 = arith.index_cast %add3A_297 : i32 to index
          %get3A_299 = arith.constant 16 : index
          %get3A_300 = tpu.vector_load %arg8[%get3A_298, %get3A_299] {strides = array<i32>} : memref<256x128xf32, #tpu.memory_space<vmem>>, vector<1x16xf32>,
          %get3A_301 = vector.shape_cast %get3A_300 : vector<1x16xf32> to vector<16xf32>
          %add3A_302 = arith.addf %add3A_271, %get3A_301 : vector<16xf32>
          %scan3A_303 = arith.constant 7 : i32
          %scan3A_304 = arith.addi %scan3A_84, %scan3A_303 : i32
          %mul3A_305 = arith.constant 64 : i32
          %mul3A_306 = arith.muli %scan3A_57, %mul3A_305 : i32
          %mul3A_307 = arith.constant 2 : i32
          %mul3A_308 = arith.muli %mul3A_307, %scan3A_304 : i32
          %add3A_309 = arith.addi %mul3A_306, %mul3A_308 : i32
          %get3A_310 = arith.index_cast %add3A_309 : i32 to index
          %get3A_311 = arith.constant 0 : index
          %get3A_312 = tpu.vector_load %arg8[%get3A_310, %get3A_311] {strides = array<i32>} : memref<256x128xf32, #tpu.memory_space<vmem>>, vector<1x16xf32>,
          %get3A_313 = vector.shape_cast %get3A_312 : vector<1x16xf32> to vector<16xf32>
          %add3A_314 = arith.addf %add3A_283, %get3A_313 : vector<16xf32>
          %get3A_315 = arith.index_cast %add3A_309 : i32 to index
          %get3A_316 = arith.constant 16 : index
          %get3A_317 = tpu.vector_load %arg8[%get3A_315, %get3A_316] {strides = array<i32>} : memref<256x128xf32, #tpu.memory_space<vmem>>, vector<1x16xf32>,
          %get3A_318 = vector.shape_cast %get3A_317 : vector<1x16xf32> to vector<16xf32>
          %add3A_319 = arith.addf %add3A_288, %get3A_318 : vector<16xf32>
          %add3A_320 = arith.constant 1 : i32
          %add3A_321 = arith.addi %add3A_309, %add3A_320 : i32
          %get3A_322 = arith.index_cast %add3A_321 : i32 to index
          %get3A_323 = arith.constant 0 : index
          %get3A_324 = tpu.vector_load %arg8[%get3A_322, %get3A_323] {strides = array<i32>} : memref<256x128xf32, #tpu.memory_space<vmem>>, vector<1x16xf32>,
          %get3A_325 = vector.shape_cast %get3A_324 : vector<1x16xf32> to vector<16xf32>
          %add3A_326 = arith.addf %add3A_295, %get3A_325 : vector<16xf32>
          %add3A_327 = arith.constant 1 : i32
          %add3A_328 = arith.addi %add3A_309, %add3A_327 : i32
          %get3A_329 = arith.index_cast %add3A_328 : i32 to index
          %get3A_330 = arith.constant 16 : index
          %get3A_331 = tpu.vector_load %arg8[%get3A_329, %get3A_330] {strides = array<i32>} : memref<256x128xf32, #tpu.memory_space<vmem>>, vector<1x16xf32>,
          %get3A_332 = vector.shape_cast %get3A_331 : vector<1x16xf32> to vector<16xf32>
          %add3A_333 = arith.addf %add3A_302, %get3A_332 : vector<16xf32>
          scf.yield %add3A_314, %add3A_319, %add3A_326, %add3A_333 : vector<16xf32>, vector<16xf32>, vector<16xf32>, vector<16xf32>
        }
        %scan3A_65 = arith.constant 32 : i32
        %add3A_66 = arith.addf %scan3A_64#0, %scan3A_64#2 : vector<16xf32>
        %mul3A_67 = arith.constant 4 : i32
        %mul3A_68 = arith.muli %add3A_48, %mul3A_67 : i32
        %add3A_69 = arith.addi %mul3A_68, %scan3A_57 : i32
        %swap3A = arith.index_cast %add3A_69 : i32 to index
        %swap3A_70 = arith.constant 0 : index
        %swap3A_71 = tpu.vector_load %arg9[%swap3A, %swap3A_70] {strides = array<i32>} : memref<256x32xf32, #tpu.memory_space<vmem>>, vector<1x16xf32>,
        %swap3A_72 = vector.shape_cast %swap3A_71 : vector<1x16xf32> to vector<16xf32>
        %swap3A_73 = vector.shape_cast %add3A_66 : vector<16xf32> to vector<1x16xf32>
        tpu.vector_store %arg9[%swap3A, %swap3A_70], %swap3A_73 {strides = array<i32>} : memref<256x32xf32, #tpu.memory_space<vmem>>, vector<1x16xf32>,
        %add3A_74 = arith.addf %scan3A_64#1, %scan3A_64#3 : vector<16xf32>
        %mul3A_75 = arith.constant 4 : i32
        %mul3A_76 = arith.muli %add3A_48, %mul3A_75 : i32
        %add3A_77 = arith.addi %mul3A_76, %scan3A_57 : i32
        %swap3A_78 = arith.index_cast %add3A_77 : i32 to index
        %swap3A_79 = arith.constant 16 : index
        %swap3A_80 = tpu.vector_load %arg9[%swap3A_78, %swap3A_79] {strides = array<i32>} : memref<256x32xf32, #tpu.memory_space<vmem>>, vector<1x16xf32>,
        %swap3A_81 = vector.shape_cast %swap3A_80 : vector<1x16xf32> to vector<16xf32>
        %swap3A_82 = vector.shape_cast %add3A_74 : vector<16xf32> to vector<1x16xf32>
        tpu.vector_store %arg9[%swap3A_78, %swap3A_79], %swap3A_82 {strides = array<i32>} : memref<256x32xf32, #tpu.memory_space<vmem>>, vector<1x16xf32>,
        %scan3A_83 = arith.constant 0 : i32
        scf.yield %scan3A_83 : i32
      }
      %scan3A_55 = arith.constant 4 : i32
      %scan3A_56 = arith.constant 0 : i32
      scf.yield %scan3A_56 : i32
    }
    %scan3A_14 = arith.constant 32 : i32
    %mul3A_15 = arith.constant 256 : i32
    %mul3A_16 = arith.muli %add3A, %mul3A_15 : i32
    "tpu.region"() ({
      %run_scoped3A = tpu.sem_alloc : memref<!tpu.dma_semaphore, #tpu.memory_space<semaphore_mem>>
      %dma_start3A_17 = arith.constant 0 : i32
      %dma_start3A_18 = tpu.memref_slice %arg4[%mul3A_16, %dma_start3A_17] : memref<8192x32xf32, #tpu.memory_space<hbm>> -> memref<256x32xf32, #tpu.memory_space<hbm>>
      %dma_start3A_19 = arith.constant 0 : i32
      %dma_start3A_20 = tpu.memref_slice %arg4[%mul3A_16, %dma_start3A_19] : memref<8192x32xf32, #tpu.memory_space<hbm>> -> memref<256x32xf32, #tpu.memory_space<hbm>>
      tpu.enqueue_dma source(%arg9 : memref<256x32xf32, #tpu.memory_space<vmem>>) target(%dma_start3A_20 : memref<256x32xf32, #tpu.memory_space<hbm>>) target_semaphore(%run_scoped3A : memref<!tpu.dma_semaphore, #tpu.memory_space<semaphore_mem>>)
      %dma_wait3A = arith.constant 0 : i32
      %dma_wait3A_21 = tpu.memref_slice %arg4[%mul3A_16, %dma_wait3A] : memref<8192x32xf32, #tpu.memory_space<hbm>> -> memref<256x32xf32, #tpu.memory_space<hbm>>
      %dma_wait3A_22 = arith.constant 0 : i32
      %dma_wait3A_23 = tpu.memref_slice %arg4[%mul3A_16, %dma_wait3A_22] : memref<8192x32xf32, #tpu.memory_space<hbm>> -> memref<256x32xf32, #tpu.memory_space<hbm>>
      tpu.wait_dma2 semaphore(%run_scoped3A : memref<!tpu.dma_semaphore, #tpu.memory_space<semaphore_mem>>) src(%arg9 : memref<256x32xf32, #tpu.memory_space<vmem>>) dst(%dma_wait3A_23 : memref<256x32xf32, #tpu.memory_space<hbm>>)
      tpu.yield
    }) : () -> ()
    return
  }
}

module attributes {stable_mosaic.version = 14 : i64} {
  func.func @_mlp_body(%arg0: memref<8192x32xf32, #tpu.memory_space<vmem>>, %arg1: memref<32x64xf32, #tpu.memory_space<vmem>>, %arg2: memref<1x32xf32, #tpu.memory_space<vmem>>, %arg3: memref<1x32xf32, #tpu.memory_space<vmem>>, %arg4: memref<1x1xf32, #tpu.memory_space<vmem>>, %arg5: memref<4096x1xf32, #tpu.memory_space<vmem>>) attributes {dimension_semantics = [], scalar_prefetch = 0 : i64, scratch_operands = 0 : i64, tpu.core_type = #tpu.core_type<tc>} {
    %get3A = arith.constant 0 : index
    %get3A_0 = arith.constant 0 : index
    %get3A_1 = vector.load %arg0[%get3A, %get3A_0] : memref<8192x32xf32, #tpu.memory_space<vmem>>, vector<8192x32xf32>
    %slice3A = vector.extract_strided_slice %get3A_1 {offsets = [0, 20], sizes = [8192, 1], strides = [1, 1]} : vector<8192x32xf32> to vector<8192x1xf32>
    %max3A = arith.constant 1.000000e+00 : f32
    %max3A_2 = vector.broadcast %max3A : f32 to vector<8192x1xf32>
    %max3A_3 = arith.maximumf %slice3A, %max3A_2 : vector<8192x1xf32>
    %div3A = vector.broadcast %max3A_3 : vector<8192x1xf32> to vector<8192x32xf32>
    %div3A_4 = arith.divf %get3A_1, %div3A : vector<8192x32xf32>
    %slice3A_5 = vector.extract_strided_slice %div3A_4 {offsets = [0, 0], sizes = [4096, 32], strides = [1, 1]} : vector<8192x32xf32> to vector<4096x32xf32>
    %slice3A_6 = vector.extract_strided_slice %div3A_4 {offsets = [4096, 0], sizes = [4096, 32], strides = [1, 1]} : vector<8192x32xf32> to vector<4096x32xf32>
    %concatenate3A = tpu.concatenate %slice3A_5, %slice3A_6 in 1 : vector<4096x32xf32>, vector<4096x32xf32> -> vector<4096x64xf32>
    %get3A_7 = arith.constant 0 : index
    %get3A_8 = arith.constant 0 : index
    %get3A_9 = vector.load %arg1[%get3A_7, %get3A_8] : memref<32x64xf32, #tpu.memory_space<vmem>>, vector<32x64xf32>
    %dot_general3A = arith.constant dense<0.000000e+00> : vector<4096x32xf32>
    %dot_general3A_10 = tpu.matmul %concatenate3A, %get3A_9, %dot_general3A {dimension_numbers = #tpu.dot_dimension_numbers<[1], [1], [0], [0], [0, 0, 1, 0], [], []>, transpose_lhs_hint = false} : vector<4096x64xf32>, vector<32x64xf32>, vector<4096x32xf32> -> vector<4096x32xf32>
    %get3A_11 = arith.constant 0 : index
    %get3A_12 = arith.constant 0 : index
    %get3A_13 = vector.load %arg2[%get3A_11, %get3A_12] : memref<1x32xf32, #tpu.memory_space<vmem>>, vector<1x32xf32>
    %add3A = vector.broadcast %get3A_13 : vector<1x32xf32> to vector<4096x32xf32>
    %add3A_14 = arith.addf %dot_general3A_10, %add3A : vector<4096x32xf32>
    %max3A_15 = arith.constant 0.000000e+00 : f32
    %max3A_16 = vector.broadcast %max3A_15 : f32 to vector<4096x32xf32>
    %max3A_17 = arith.maximumf %add3A_14, %max3A_16 : vector<4096x32xf32>
    %get3A_18 = arith.constant 0 : index
    %get3A_19 = arith.constant 0 : index
    %get3A_20 = vector.load %arg3[%get3A_18, %get3A_19] : memref<1x32xf32, #tpu.memory_space<vmem>>, vector<1x32xf32>
    %mul3A = vector.broadcast %get3A_20 : vector<1x32xf32> to vector<4096x32xf32>
    %mul3A_21 = arith.mulf %max3A_17, %mul3A : vector<4096x32xf32>
    %reduce_sum3A = arith.constant dense<0.000000e+00> : vector<4096xf32>
    %reduce_sum3A_22 = vector.multi_reduction <add>, %mul3A_21, %reduce_sum3A [1] : vector<4096x32xf32> to vector<4096xf32>
    %broadcast_in_dim3A = vector.shape_cast %reduce_sum3A_22 : vector<4096xf32> to vector<4096x1xf32>
    %get3A_23 = arith.constant 0 : index
    %get3A_24 = arith.constant 0 : index
    %get3A_25 = vector.load %arg4[%get3A_23, %get3A_24] : memref<1x1xf32, #tpu.memory_space<vmem>>, vector<1x1xf32>
    %add3A_26 = vector.broadcast %get3A_25 : vector<1x1xf32> to vector<4096x1xf32>
    %add3A_27 = arith.addf %broadcast_in_dim3A, %add3A_26 : vector<4096x1xf32>
    %swap3A = arith.constant 0 : index
    %swap3A_28 = arith.constant 0 : index
    %swap3A_29 = vector.load %arg5[%swap3A, %swap3A_28] : memref<4096x1xf32, #tpu.memory_space<vmem>>, vector<4096x1xf32>
    tpu.vector_store %arg5[%swap3A, %swap3A_28], %add3A_27 {strides = array<i32>} : memref<4096x1xf32, #tpu.memory_space<vmem>>, vector<4096x1xf32>,
    return
  }
}

</mosaic_0001>

<sc_bundles>
// kernel: gather_offload_async_start
scs
__scs_entry_jumppad:
0x0: {  	(pc) =	sbr.rel $0x88, $3  }
0x1: {  	(tag) =	ssettag $0x0;
	lr =	simm.s32 $0x1  }
0x2: {  	[smem:$0x3F9A] =	sst lr;
	_ =	strace $0xD0000000  }
0x3: {  	_ = 	snop  }
0x4: {  	_ = 	snop  }
0x5: {  	_ = 	snop  }
0x6: {  	_ = 	snop  }
0x7: {  	_ = 	snop  }
__scs_overlays_trampoline_lowered:
0x8: {  	[smem:$0x3FA9] =	sst s0  }
0x9: {  	[smem:$0x3FAA] =	sst s1  }
0xa: {  	[smem:$0x3FAB] =	sst s2  }
0xb: {  	[smem:$0x3FAC] =	sst s3  }
0xc: {  	[smem:$0x3FAD] =	sst s4  }
0xd: {  	[smem:$0x3FAE] =	sst s5  }
0xe: {  	[smem:$0x3FAF] =	sst s6  }
0xf: {  	[smem:$0x3FB0] =	sst s7  }
0x10: {  	[smem:$0x3FB1] =	sst s8  }
0x11: {  	[smem:$0x3FB2] =	sst s9;
	s0 =	simm.s32 @!p0 $0x0  }
0x12: {  	s1 =	sld [smem:$0x3F98];
	s0 =	simm.s32 @p0 $0x1  }
0x13: {  	[smem:$0x3FB3] =	sst s0;
	s0 =	simm.s32 @!p1 $0x0  }
0x14: {  	s2 =	sld [smem:$0x3F97];
	s0 =	simm.s32 @p1 $0x1  }
0x15: {  	[smem:$0x3FB4] =	sst s0;
	s0 =	simm.s32 @!p2 $0x0  }
0x16: {  	s3 =	sld [smem:$0x3FDB];
	s0 =	simm.s32 @p2 $0x1  }
0x17: {  	s4 =	simm.s32 $0x1BF5;
	[smem:$0x3FB6] =	sst s0  }
0x18: {  	s0 =	sld [smem:$0x3F99];
	_ =	swait.ge [sflag:s4], $0x0  }
0x19: {  	s7 =	sld [smem:$0x3F9A]  }
0x1a: {  	s8 =	sadd.s32 $0xFFFFE003, lr  }
0x1b: {  	s9 =	sadd.s32 $0xFFFFFEF7, lr;
	s5 =	simm.s32 $0xFFFFFFFF;
	p2 =	slt.u32 s8, $0xFFFFF086  }
0x1c: {  	p1 =	slt.u32 s9, $0xF7A;
	s5 =	simm.s32 @!p2 $0x0  }
0x1d: {  	s5 =	simm.s32 @p1 $0x1;
	p0 =	seq.s32 s7, s2  }
0x1e: {  	s7 =	smul.u32 @!p0 $0xF7A, s2;
	p2 =	seq.s32 @!p0 s5, $0x0  }
0x1f: {  	s9 =	smul.u32 $0xF7A, s1;
	s8 =	simm.s32 @!p0 $0x1BF5;
	p2 =	por !p2, p0  }
0x20: {  	[sflag:s8] =	ssyncset.s32 @!p0 $0xFFFFF086;
	s6 =	sadd.s32 @!p0 s3, s7;
	s7 =	simm.s32 @!p0 $0x108  }
0x21: {  	s3 =	sadd.s32 s3, s9;
	s6 =	sadd.s32 @!p0 $0x88, s6;
	s7 =	simm.s32 @p2 $0x1082  }
0x22: {  	[simem:s7], [sflag:s8] =	dma.local @!p0 [hbm:s6], $0xF7A  }
0x23: {  	s9 =	sor.u32 $0xD0000000, s2;
	s6 =	simm.s32 $0x108;
	_ =	swait.ge @!p0 [sflag:s8], $0x0  }
0x24: {  	s3 =	sadd.s32 $0x88, s3;
	s6 =	simm.s32 @!p1 $0x1082;
	[sflag:s4] =	ssyncset.s32 $0xFFFFF086  }
0x25: {  	[simem:s6], [sflag:s4] =	dma.local [hbm:s3], $0xF7A  }
0x26: {  	[smem:$0x3F9A] =	sst s1;
	(tag) =	ssettag s2;
	_ =	strace s9  }
0x27: {  	s1 =	sld [smem:$0x3FAA]  }
0x28: {  	s2 =	sld [smem:$0x3FAB]  }
0x29: {  	s4 =	sld [smem:$0x3FAD]  }
0x2a: {  	p0 =	seq.s32 s5, $0x0;
	s5 =	sld [smem:$0x3FAE]  }
0x2b: {  	s6 =	sld [smem:$0x3FAF]  }
0x2c: {  	s7 =	sld [smem:$0x3FB0]  }
0x2d: {  	s3 =	simm.s32 $0x108;
	s8 =	sld [smem:$0x3FB1]  }
0x2e: {  	s3 =	simm.s32 @!p0 $0x1082;
	s9 =	sld [smem:$0x3FB2]  }
0x2f: {  	lr =	sadd.s32 s0, s3;
	s0 =	sld [smem:$0x3FA9]  }
0x30: {  	s3 =	sld [smem:$0x3FAC]  }
0x31: {  	[smem:$0x3FB5] =	sst s10  }
0x32: {  	s10 =	sld [smem:$0x3FB3];
	_ =	sdelay $0x3  }
0x33: {  	p0 =	seq.s32 s10, $0x1;
	s10 =	sld [smem:$0x3FB5];
	_ =	sdelay $0x3  }
0x34: {  	[smem:$0x3FB5] =	sst s10  }
0x35: {  	s10 =	sld [smem:$0x3FB4];
	_ =	sdelay $0x3  }
0x36: {  	p1 =	seq.s32 s10, $0x1;
	s10 =	sld [smem:$0x3FB5];
	_ =	sdelay $0x3  }
0x37: {  	[smem:$0x3FB5] =	sst s10  }
0x38: {  	s10 =	sld [smem:$0x3FB6]  }
0x39: {  	_ = 	snop;
	(pc) =	sbr.ind lr, $3  }
0x3a: {  	_ = 	snop  }
0x3b: {  	_ = 	snop  }
0x3c: {  	p2 =	seq.s32 s10, $0x1;
	s10 =	sld [smem:$0x3FB5]  }
0x3d: {  	_ =	shalt  }
0x3e: {  	_ =	shalt  }
0x3f: {  	_ =	shalt  }
0x40: {  	_ =	shalt  }
0x41: {  	_ =	shalt  }
0x42: {  	_ =	shalt  }
0x43: {  	_ =	shalt  }
0x44: {  	_ =	shalt  }
0x45: {  	_ =	shalt  }
0x46: {  	_ =	shalt  }
0x47: {  	_ =	shalt  }
0x48: {  	_ =	shalt  }
0x49: {  	_ =	shalt  }
0x4a: {  	_ =	shalt  }
0x4b: {  	_ =	shalt  }
0x4c: {  	_ =	shalt  }
0x4d: {  	_ =	shalt  }
0x4e: {  	_ =	shalt  }
0x4f: {  	_ =	shalt  }
0x50: {  	_ =	shalt  }
0x51: {  	_ =	shalt  }
0x52: {  	_ =	shalt  }
0x53: {  	_ =	shalt  }
0x54: {  	_ =	shalt  }
0x55: {  	_ =	shalt  }
0x56: {  	_ =	shalt  }
0x57: {  	_ =	shalt  }
0x58: {  	_ =	shalt  }
0x59: {  	_ =	shalt  }
0x5a: {  	_ =	shalt  }
0x5b: {  	_ =	shalt  }
0x5c: {  	_ =	shalt  }
0x5d: {  	_ =	shalt  }
0x5e: {  	_ =	shalt  }
0x5f: {  	_ =	shalt  }
0x60: {  	_ =	shalt  }
0x61: {  	_ =	shalt  }
0x62: {  	_ =	shalt  }
0x63: {  	_ =	shalt  }
0x64: {  	_ =	shalt  }
0x65: {  	_ =	shalt  }
0x66: {  	_ =	shalt  }
0x67: {  	_ =	shalt  }
0x68: {  	_ =	shalt  }
0x69: {  	_ =	shalt  }
0x6a: {  	_ =	shalt  }
0x6b: {  	_ =	shalt  }
0x6c: {  	_ =	shalt  }
0x6d: {  	_ =	shalt  }
0x6e: {  	_ =	shalt  }
0x6f: {  	_ =	shalt  }
0x70: {  	_ =	shalt  }
0x71: {  	_ =	shalt  }
0x72: {  	_ =	shalt  }
0x73: {  	_ =	shalt  }
0x74: {  	_ =	shalt  }
0x75: {  	_ =	shalt  }
0x76: {  	_ =	shalt  }
0x77: {  	_ =	shalt  }
0x78: {  	_ =	shalt  }
0x79: {  	_ =	shalt  }
0x7a: {  	_ =	shalt  }
0x7b: {  	_ =	shalt  }
0x7c: {  	_ =	shalt  }
0x7d: {  	_ =	shalt  }
0x7e: {  	_ =	shalt  }
0x7f: {  	_ =	shalt  }
0x80: {  	_ =	shalt  }
0x81: {  	_ =	shalt  }
0x82: {  	_ =	shalt  }
0x83: {  	_ =	shalt  }
0x84: {  	_ =	shalt  }
0x85: {  	_ =	shalt  }
0x86: {  	_ =	shalt  }
0x87: {  	_ =	shalt  }
.Lfunc_end0:
.L_simem_size_0:
called_computation_lowered:
.L_overlay_start_0:
0x88: {  	s2 =	sld [smem:$0x3FD9]  }
0x89: {  	s3 =	sld [smem:$0x3FFE];
	_ =	sdelay $0x1  }
0x8a: {  	s1 =	srdreg.scid  }
0x8b: {  	s0 =	sand.u32 $0x1, s1  }
0x8c: {  	s16 =	sshll.u32 s0, $0xA;
	s2 =	sadd.s32 s3, s2  }
0x8d: {  	s2 =	sadd.s32 s2, s16  }
0x8e: {  	[smem:$0x3FC1] =	sst s2  }
0x8f: {  	_ = 	snop  }
0x90: {  	(tm) =	ssettm $0x1  }
0x91: {  	s17 =	sld [smem:$0x3FFB];
	_ =	sdelay $0x3  }
0x92: {  	_ =	strace s17  }
0x93: {  	s2 =	sld [smem:$0x3FFC];
	_ =	sdelay $0x3  }
0x94: {  	_ =	strace s2  }
0x95: {  	s2 =	sld [smem:$0x3FFD];
	_ =	sdelay $0x3  }
0x96: {  	_ =	strace s2  }
0x97: {  	_ =	strace $0x8FFFFFFF  }
0x98: {  	s18 =	sld [smem:$0x3FDB];
	_ =	sdelay $0x1  }
0x99: {  	s19 =	simm.s32 $_scs_section_size  }
0x9a: {  	s4 =	simm.s32 $_size__tile_overlayer_lowered;
	s5 =	simm.s32 $_tile_overlayer_lowered  }
0x9b: {  	s22 =	simm.s32 $0x1BFF;
	s21 =	sshll.u32 s5, $0x1;
	s2 =	sadd.s32 s19, s18  }
0x9c: {  	s6 =	simm.s32 $0x0;
	s20 =	sshll.u32 s4, $0x1;
	s4 =	sadd.s32 s21, s2  }
0x9d: {  	[timem:s6], [sflag:s22] =	dma.local [hbm:s4], s20  }
0x9e: {  	_ =	swait.ge [sflag:s22], s20  }
0x9f: {  	s3 =	ssub.s32 $0x0, s20;
	[sflag:s22] =	ssyncset.done $0x0  }
0xa0: {  	[sflag:s22] =	ssyncadd.s32 s3;
	_ =	sdelay $0x1  }
0xa1: {  	s23 =	simm.s32 $0x1B8B  }
0xa2: {  	_ =	swait.ge [sflag:s23], $0x1  }
0xa3: {  	[sflag:s23] =	ssyncset.done $0x0  }
0xa4: {  	s25 =	simm.s32 $0x1B8E;
	s24 =	sld [smem:$0x3FFE];
	[sflag:s23] =	ssyncadd.s32 $0xFFFFFFFF  }
0xa5: {  	s26 =	simm.s32 $execute0_lowered;
	[smem:$0x3FD2] =	sst s25  }
0xa6: {  	s4 =	sshll.u32 s26, $0x1;
	_ =	strace $0x80000046;
	[dreg:$0x1] =	wrdreg $0xFFFFFFFF  }
0xa7: {  	s28 =	simm.s32 $_size_execute0_lowered;
	s2 =	sadd.s32 s2, s4;
	[dreg:$0x0] =	wrdreg $0x0  }
0xa8: {  	s4 =	sshll.u32 s28, $0x1;
	[dreg:$0x2] =	wrdreg s2  }
0xa9: {  	[dreg:$0x3] =	wrdreg s4  }
0xaa: {  	[dreg:$0x4] =	wrdreg $0xC0  }
0xab: {  	_ =	task [dreg:s6], $0x5FFFF  }
0xac: {  	[dreg:$0x1] =	wrdreg $0xFFFFFFFF  }
0xad: {  	[dreg:$0x0] =	wrdreg $0x60  }
0xae: {  	[dreg:$0x2] =	wrdreg s24  }
0xaf: {  	[dreg:$0x3] =	wrdreg $0x9  }
0xb0: {  	_ =	task.clear_ibuf [dreg:s6], $0x4FFFF;
	_ =	strace $0x90000046  }
0xb1: {  	s29 =	simm.s32 $0x9;
	_ =	strace $0x80000048  }
0xb2: {  	_ =	swait.ge [sflag:s29], $0x1  }
0xb3: {  	[sflag:s29] =	ssyncadd.s32 $0xFFFFFFFF  }
0xb4: {  	_ =	strace $0x90000048  }
0xb5: {  	_ =	sfence  }
0xb6: {  	s30 =	sld [smem:$0x0];
	_ =	sdelay $0x2  }
0xb7: {  	s31 =	sshll.u32 s1, $0xD;
	s1 =	sshrl.u32 s1, $0x2  }
0xb8: {  	s3 =	sand.u32 $0x4000, s31;
	s1 =	sadd.s32 s1, s30  }
0xb9: {  	s0 =	sor.u32 s3, s0;
	s1 =	sshll.u32 s1, $0x11  }
0xba: {  	s0 =	sor.u32 s1, s0  }
0xbb: {  	s0 =	sadd.s32 $0x8F2B, s0  }
0xbc: {  	[sflag:s0] =	ssyncadd.remote.s32 $0x1  }
0xbd: {  	_ =	sfence.sel $0xFFFF  }
0xbe: {  	[dreg:$0x0] =	wrdreg $0xFFFFFFFF;
	(pc) =	sbr.abs _section_cstart, $3  }
0xbf: {  	[dreg:$0x1] =	wrdreg $0xFFFFFFFF  }
0xc0: {  	_ =	task.clear_ibuf [dreg:s6], $0x2FFFF;
	_ =	strace $0x9FFFFFFF  }
0xc1: {  	(tm) =	ssettm $0x7FFFFFFF  }
tec
execute0_lowered:
.L_overlay_start_1:
0x0: {  	(tag) =	ssettag $0x1  }
0x1: {  	s7 =	rddreg [dreg:$0x0]  }
0x2: {  	s0 =	rddreg [dreg:$0x1];
	_ =	strace $0x80000047  }
0x3: {  	s1 =	srdreg.scid;
	s4 =	simm.s32 $0x1;
	s9 =	simm.s32 $0x3  }
0x4: {  	s12 =	simm.s32 $0x0;
	s10 =	simm.s32 $0x0;
	s5 =	sshll.u32 s1, $0x4  }
.Ltmp0:
0x5: {  	s1 =	stileid.u32;
	s5 =	sand.u32 $0x10, s5;
	(pc) =	sbr.rel .LBB2_1-.Ltmp0, $4  }
0x6: {  	s2 =	sadd.s32 $0x4C1A00, s7;
	s3 =	sadd.s32 $0x585000, s7;
	s6 =	sor.u32 s1, s5  }
0x7: {  	[sflag:s4] =	ssyncpa.u1 $0x0;
	s5 =	simm.s32 $0x2;
	s6 =	sshll.u32 s6, $0x8  }
0x8: {  	s7 =	sadd.s32 $0x585400, s7;
	[sflag:s5] =	ssyncpa.u1 $0x0;
	s8 =	sadd.s32 $0x100, s6  }
0x9: {  	vm0 =	vmmov $0xff;
	vm1 =	vcmask $0x3F20;
	[sflag:s9] =	ssyncpa.u1 $0x0;
	s9 =	simm.s32 $0x100;
	s11 =	smov.u32 s6  }
.LBB2_9:
0xa: {  	p0 =	seq.s32 s10, $0x2  }
.Ltmp1:
0xb: {  	_ = 	snop;
	(pc) =	sbr.rel @p0 .LBB2_11-.Ltmp1, $1  }
0xc: {  	_ =	sdelay $0x3  }
.LBB2_10:
0xd: {  	s12 =	sadd.s32 $0x100, s11  }
0xe: {  	s13 =	smov.u32 s6;
	p0 =	slt.s32 s12, s8  }
0xf: {  	s13 =	smov.u32 @p0 s12  }
0x10: {  	s10 =	sadd.s32 $0x1, s10;
	s12 =	smov.u32 s11;
	s11 =	smov.u32 s13  }
.LBB2_1:
0x11: {  	p0 =	sne.s32 s10, $0x0  }
.Ltmp2:
0x12: {  	_ = 	snop;
	(pc) =	sbr.rel @!p0 .LBB2_2-.Ltmp2, $1  }
0x13: {  	_ =	sdelay $0x3  }
0x14: {  	s13 =	sand.u32 $0x1, s10  }
0x15: {  	p0 =	seq.s32 s13, $0x0  }
.Ltmp3:
0x16: {  	_ = 	snop;
	(pc) =	sbr.rel @p0 .LBB2_9-.Ltmp3, $1  }
0x17: {  	_ =	sdelay $0x3  }
0x18: {  	_ =	swait.ge [sflag:s5], $0x100  }
0x19: {  	[sflag:s5] =	ssyncset.done $0x0  }
0x1a: {  	s13 =	simm.s32 $0x0;
	[sflag:s5] =	ssyncadd.s32 $0xFFFFFF00  }
0x1b: {  	v0 =	vld.msk [tilespmem:s13+$0x100 ss:$0x1], $0xffff;
	_ =	sdelay $0x4  }
0x1c: {  	vm2 =	vgt.s32 v0, $0x0  }
0x1d: {  	v0 =	vnsel vm2, $0x0, v0  }
0x1e: {  	v0 =	vmin.u32 v0, $0xC34F  }
0x1f: {  	v0 =	vshll.u32 v0, $0x4;
	_ =	sdelay $0x3  }
0x20: {  	s13 =	simm.s32 $0x8200  }
0x21: {  	[tilespmem:s13], [sflag:$0x1] =	stream.indirect_vreg.gather [hbm:s2], $0x80, v0, vm0, $0x38;
	[tilespmem:$0x10200] =	vst v63  }
0x22: {  	s14 =	simm.s32 $0x8600;
	s31 =	simm.s32 $0x10  }
0x23: {  	[tilespmem:s14], [sflag:$0x1] =	stream.indirect_vreg.gather [hbm:s2], $0x80, v0, vm1, $0x38;
	[tilespmem:$0x10200] =	vst v63  }
0x24: {  	s14 =	simm.s32 $0x80;
	v0 =	vld.msk [tilespmem:s31+$0x100 ss:$0x1], $0xffff  }
.LBB2_5:
0x25: {  	p0 =	sne.s32 s14, $0x3C0;
	_ =	sdelay $0x4  }
0x26: {  	vm2 =	vgt.s32 v0, $0x0  }
0x27: {  	v0 =	vnsel vm2, $0x0, v0  }
0x28: {  	v0 =	vmin.u32 v0, $0xC34F  }
0x29: {  	v0 =	vshll.u32 v0, $0x4;
	_ =	sdelay $0x3  }
.Ltmp4:
0x2a: {  	s13 =	sadd.s32 $0x800, s13;
	(pc) =	sbr.rel @p0 .LBB2_5-.Ltmp4, $4  }
0x2b: {  	[tilespmem:s13], [sflag:$0x1] =	stream.indirect_vreg.gather [hbm:s2], $0x80, v0, vm0, $0x38;
	[tilespmem:$0x10200] =	vst v63  }
0x2c: {  	s15 =	sshra.s32 s14, $0x2;
	s16 =	sadd.s32 $0x400, s13  }
0x2d: {  	[tilespmem:s16], [sflag:$0x1] =	stream.indirect_vreg.gather [hbm:s2], $0x80, v0, vm1, $0x38;
	[tilespmem:$0x10200] =	vst v63  }
0x2e: {  	s14 =	sadd.s32 $0x40, s14;
	v0 =	vld.msk [tilespmem:s15+$0x100 ss:$0x1], $0xffff  }
0x2f: {  	_ =	sdelay $0x3  }
0x30: {  	vm2 =	vgt.s32 v0, $0x0  }
0x31: {  	v0 =	vnsel vm2, $0x0, v0  }
0x32: {  	v0 =	vmin.u32 v0, $0xC34F  }
0x33: {  	v0 =	vshll.u32 v0, $0x4;
	_ =	sdelay $0x3  }
0x34: {  	s13 =	sadd.s32 $0x800, s13  }
0x35: {  	[tilespmem:s13], [sflag:$0x1] =	stream.indirect_vreg.gather [hbm:s2], $0x80, v0, vm0, $0x38;
	[tilespmem:$0x10200] =	vst v63  }
0x36: {  	s13 =	sadd.s32 $0x400, s13  }
0x37: {  	[tilespmem:s13], [sflag:$0x1] =	stream.indirect_vreg.gather [hbm:s2], $0x80, v0, vm1, $0x38;
	[tilespmem:$0x10200] =	vst v63  }
0x38: {  	s12 =	sshll.u32 s12, $0x4;
	s14 =	simm.s32 $0x80;
	_ =	swait.ge [sflag:s4], $0x8000  }
0x39: {  	s15 =	simm.s32 $0x8600;
	s12 =	sadd.s32 s12, s7;
	[sflag:s4] =	ssyncset.done $0x0  }
0x3a: {  	s16 =	sadd.s32 $0x0, s12;
	s13 =	simm.s32 $0x8200;
	[sflag:s4] =	ssyncadd.s32 $0xFFFF8000  }
.LBB2_7:
0x3b: {  	[hbm:s16] =	stream.linear.scatter [tilespmem:s13], [sflag:$0x3], $0x400, $0x38;
	[tilespmem:$0x10200] =	vst v63  }
0x3c: {  	s16 =	smov.u32 s14;
	s13 =	smov.u32 s15;
	p0 =	sne.s32 s14, $0xF80  }
.Ltmp5:
0x3d: {  	s14 =	sadd.s32 $0x80, s14;
	(pc) =	sbr.rel @p0 .LBB2_7-.Ltmp5, $2  }
0x3e: {  	_ =	sdelay $0x2  }
0x3f: {  	s15 =	sadd.s32 $0x400, s15;
	s16 =	sadd.s32 s16, s12  }
.Ltmp6:
0x40: {  	(pc) =	sbr.rel .LBB2_9-.Ltmp6, $2  }
0x41: {  	_ =	sdelay $0x2  }
0x42: {  	[hbm:s16] =	stream.linear.scatter [tilespmem:s13], [sflag:$0x3], $0x400, $0x38;
	[tilespmem:$0x10200] =	vst v63  }
.LBB2_2:
.Ltmp7:
0x43: {  	(pc) =	sbr.rel .LBB2_10-.Ltmp7, $4  }
0x44: {  	_ = 	snop  }
0x45: {  	s12 =	sshrl.u32 s11, $0x3  }
0x46: {  	s13 =	sand.u32 $0x7, s11;
	s12 =	sadd.s32 s3, s12  }
0x47: {  	[tilespmem:s9], [sflag:$0x2] =	stream.linear.gather [hbm4b:s12+s13], $0x100, $0x38;
	[tilespmem:$0x10200] =	vst v63  }
.LBB2_11:
0x48: {  	s2 =	simm.s32 $0x3  }
0x49: {  	_ =	swait.ge [sflag:s2], $0x8000  }
0x4a: {  	[sflag:s2] =	ssyncset.done $0x0  }
0x4b: {  	[sflag:s2] =	ssyncadd.s32 $0xFFFF8000  }
0x4c: {  	_ =	sfence.sel $0x180000  }
0x4d: {  	s3 =	simm.s32 $0x2;
	[bflag:$0x0] =	sbarrier.arrive $0xFFFF  }
0x4e: {  	[sflag:s3] =	ssyncpa.u1 $0x1  }
0x4f: {  	s31 =	simm.s32 $0x1;
	[sflag:s2] =	ssyncpa.u1 $0x1  }
0x50: {  	[sflag:s31] =	ssyncpa.u1 $0x1  }
0x51: {  	p0 =	sne.s32 s1, $0x0;
	_ =	strace $0x90000047  }
0x52: {  	s0 =	sadd.s32 @!p0 $0x100000, s0;
	[bflag:$0x2] =	sbarrier.arrive $0xFFFF  }
0x53: {  	[sflag:s0] =	ssyncadd.tile.s32 @!p0 $0x1;
	_ =	shalt  }
.Lfunc_end2:
_tile_overlayer_lowered:
.L_overlay_start_2:
0x54: {  	(tag) =	ssettag $0x2  }
0x55: {  	s0 =	rddreg [dreg:$0x0];
	s2 =	stileid.u32  }
0x56: {  	s1 =	rddreg [dreg:$0x1];
	p0 =	sne.s32 s2, $0x0  }
0x57: {  	s3 =	rddreg [dreg:$0x2];
	[bflag:$0x3] =	sbarrier.arrive $0xFFFF;
	s2 =	simm.s32 @!p0 $0x1C01  }
0x58: {  	[timem:s3], [sflag:s2] =	dma.local @!p0 [hbm:s0], s1  }
0x59: {  	s0 =	simm.s32 @!p0 $0x1  }
0x5a: {  	_ =	swait.ge @!p0 [sflag:s0], s1  }
0x5b: {  	s1 =	ssub.s32 @!p0 $0x0, s1;
	[sflag:s0] =	ssyncset.done @!p0 $0x0  }
0x5c: {  	[sflag:s0] =	ssyncadd.s32 @!p0 s1  }
0x5d: {  	[bflag:$0x3] =	sbarrier.arrive $0xFFFF  }
0x5e: {  	_ =	shalt  }

// kernel: kernel.4.cloned.1.call-start
scs
__scs_entry_jumppad:
0x0: {  	(pc) =	sbr.rel $0x88, $3  }
0x1: {  	(tag) =	ssettag $0x0;
	lr =	simm.s32 $0x1  }
0x2: {  	[smem:$0x3F9A] =	sst lr;
	_ =	strace $0xD0000000  }
0x3: {  	_ = 	snop  }
0x4: {  	_ = 	snop  }
0x5: {  	_ = 	snop  }
0x6: {  	_ = 	snop  }
0x7: {  	_ = 	snop  }
__scs_overlays_trampoline_lowered:
0x8: {  	[smem:$0x3FA9] =	sst s0  }
0x9: {  	[smem:$0x3FAA] =	sst s1  }
0xa: {  	[smem:$0x3FAB] =	sst s2  }
0xb: {  	[smem:$0x3FAC] =	sst s3  }
0xc: {  	[smem:$0x3FAD] =	sst s4  }
0xd: {  	[smem:$0x3FAE] =	sst s5  }
0xe: {  	[smem:$0x3FAF] =	sst s6  }
0xf: {  	[smem:$0x3FB0] =	sst s7  }
0x10: {  	[smem:$0x3FB1] =	sst s8  }
0x11: {  	[smem:$0x3FB2] =	sst s9;
	s0 =	simm.s32 @!p0 $0x0  }
0x12: {  	s1 =	sld [smem:$0x3F98];
	s0 =	simm.s32 @p0 $0x1  }
0x13: {  	[smem:$0x3FB3] =	sst s0;
	s0 =	simm.s32 @!p1 $0x0  }
0x14: {  	s2 =	sld [smem:$0x3F97];
	s0 =	simm.s32 @p1 $0x1  }
0x15: {  	[smem:$0x3FB4] =	sst s0;
	s0 =	simm.s32 @!p2 $0x0  }
0x16: {  	s3 =	sld [smem:$0x3FDB];
	s0 =	simm.s32 @p2 $0x1  }
0x17: {  	s4 =	simm.s32 $0x1BF5;
	[smem:$0x3FB6] =	sst s0  }
0x18: {  	s0 =	sld [smem:$0x3F99];
	_ =	swait.ge [sflag:s4], $0x0  }
0x19: {  	s7 =	sld [smem:$0x3F9A]  }
0x1a: {  	s8 =	sadd.s32 $0xFFFFE003, lr  }
0x1b: {  	s9 =	sadd.s32 $0xFFFFFEF7, lr;
	s5 =	simm.s32 $0xFFFFFFFF;
	p2 =	slt.u32 s8, $0xFFFFF086  }
0x1c: {  	p1 =	slt.u32 s9, $0xF7A;
	s5 =	simm.s32 @!p2 $0x0  }
0x1d: {  	s5 =	simm.s32 @p1 $0x1;
	p0 =	seq.s32 s7, s2  }
0x1e: {  	s7 =	smul.u32 @!p0 $0xF7A, s2;
	p2 =	seq.s32 @!p0 s5, $0x0  }
0x1f: {  	s9 =	smul.u32 $0xF7A, s1;
	s8 =	simm.s32 @!p0 $0x1BF5;
	p2 =	por !p2, p0  }
0x20: {  	[sflag:s8] =	ssyncset.s32 @!p0 $0xFFFFF086;
	s6 =	sadd.s32 @!p0 s3, s7;
	s7 =	simm.s32 @!p0 $0x108  }
0x21: {  	s3 =	sadd.s32 s3, s9;
	s6 =	sadd.s32 @!p0 $0x88, s6;
	s7 =	simm.s32 @p2 $0x1082  }
0x22: {  	[simem:s7], [sflag:s8] =	dma.local @!p0 [hbm:s6], $0xF7A  }
0x23: {  	s9 =	sor.u32 $0xD0000000, s2;
	s6 =	simm.s32 $0x108;
	_ =	swait.ge @!p0 [sflag:s8], $0x0  }
0x24: {  	s3 =	sadd.s32 $0x88, s3;
	s6 =	simm.s32 @!p1 $0x1082;
	[sflag:s4] =	ssyncset.s32 $0xFFFFF086  }
0x25: {  	[simem:s6], [sflag:s4] =	dma.local [hbm:s3], $0xF7A  }
0x26: {  	[smem:$0x3F9A] =	sst s1;
	(tag) =	ssettag s2;
	_ =	strace s9  }
0x27: {  	s1 =	sld [smem:$0x3FAA]  }
0x28: {  	s2 =	sld [smem:$0x3FAB]  }
0x29: {  	s4 =	sld [smem:$0x3FAD]  }
0x2a: {  	p0 =	seq.s32 s5, $0x0;
	s5 =	sld [smem:$0x3FAE]  }
0x2b: {  	s6 =	sld [smem:$0x3FAF]  }
0x2c: {  	s7 =	sld [smem:$0x3FB0]  }
0x2d: {  	s3 =	simm.s32 $0x108;
	s8 =	sld [smem:$0x3FB1]  }
0x2e: {  	s3 =	simm.s32 @!p0 $0x1082;
	s9 =	sld [smem:$0x3FB2]  }
0x2f: {  	lr =	sadd.s32 s0, s3;
	s0 =	sld [smem:$0x3FA9]  }
0x30: {  	s3 =	sld [smem:$0x3FAC]  }
0x31: {  	[smem:$0x3FB5] =	sst s10  }
0x32: {  	s10 =	sld [smem:$0x3FB3];
	_ =	sdelay $0x3  }
0x33: {  	p0 =	seq.s32 s10, $0x1;
	s10 =	sld [smem:$0x3FB5];
	_ =	sdelay $0x3  }
0x34: {  	[smem:$0x3FB5] =	sst s10  }
0x35: {  	s10 =	sld [smem:$0x3FB4];
	_ =	sdelay $0x3  }
0x36: {  	p1 =	seq.s32 s10, $0x1;
	s10 =	sld [smem:$0x3FB5];
	_ =	sdelay $0x3  }
0x37: {  	[smem:$0x3FB5] =	sst s10  }
0x38: {  	s10 =	sld [smem:$0x3FB6]  }
0x39: {  	_ = 	snop;
	(pc) =	sbr.ind lr, $3  }
0x3a: {  	_ = 	snop  }
0x3b: {  	_ = 	snop  }
0x3c: {  	p2 =	seq.s32 s10, $0x1;
	s10 =	sld [smem:$0x3FB5]  }
0x3d: {  	_ =	shalt  }
0x3e: {  	_ =	shalt  }
0x3f: {  	_ =	shalt  }
0x40: {  	_ =	shalt  }
0x41: {  	_ =	shalt  }
0x42: {  	_ =	shalt  }
0x43: {  	_ =	shalt  }
0x44: {  	_ =	shalt  }
0x45: {  	_ =	shalt  }
0x46: {  	_ =	shalt  }
0x47: {  	_ =	shalt  }
0x48: {  	_ =	shalt  }
0x49: {  	_ =	shalt  }
0x4a: {  	_ =	shalt  }
0x4b: {  	_ =	shalt  }
0x4c: {  	_ =	shalt  }
0x4d: {  	_ =	shalt  }
0x4e: {  	_ =	shalt  }
0x4f: {  	_ =	shalt  }
0x50: {  	_ =	shalt  }
0x51: {  	_ =	shalt  }
0x52: {  	_ =	shalt  }
0x53: {  	_ =	shalt  }
0x54: {  	_ =	shalt  }
0x55: {  	_ =	shalt  }
0x56: {  	_ =	shalt  }
0x57: {  	_ =	shalt  }
0x58: {  	_ =	shalt  }
0x59: {  	_ =	shalt  }
0x5a: {  	_ =	shalt  }
0x5b: {  	_ =	shalt  }
0x5c: {  	_ =	shalt  }
0x5d: {  	_ =	shalt  }
0x5e: {  	_ =	shalt  }
0x5f: {  	_ =	shalt  }
0x60: {  	_ =	shalt  }
0x61: {  	_ =	shalt  }
0x62: {  	_ =	shalt  }
0x63: {  	_ =	shalt  }
0x64: {  	_ =	shalt  }
0x65: {  	_ =	shalt  }
0x66: {  	_ =	shalt  }
0x67: {  	_ =	shalt  }
0x68: {  	_ =	shalt  }
0x69: {  	_ =	shalt  }
0x6a: {  	_ =	shalt  }
0x6b: {  	_ =	shalt  }
0x6c: {  	_ =	shalt  }
0x6d: {  	_ =	shalt  }
0x6e: {  	_ =	shalt  }
0x6f: {  	_ =	shalt  }
0x70: {  	_ =	shalt  }
0x71: {  	_ =	shalt  }
0x72: {  	_ =	shalt  }
0x73: {  	_ =	shalt  }
0x74: {  	_ =	shalt  }
0x75: {  	_ =	shalt  }
0x76: {  	_ =	shalt  }
0x77: {  	_ =	shalt  }
0x78: {  	_ =	shalt  }
0x79: {  	_ =	shalt  }
0x7a: {  	_ =	shalt  }
0x7b: {  	_ =	shalt  }
0x7c: {  	_ =	shalt  }
0x7d: {  	_ =	shalt  }
0x7e: {  	_ =	shalt  }
0x7f: {  	_ =	shalt  }
0x80: {  	_ =	shalt  }
0x81: {  	_ =	shalt  }
0x82: {  	_ =	shalt  }
0x83: {  	_ =	shalt  }
0x84: {  	_ =	shalt  }
0x85: {  	_ =	shalt  }
0x86: {  	_ =	shalt  }
0x87: {  	_ =	shalt  }
.Lfunc_end0:
.L_simem_size_0:
called_computation.1_lowered:
.L_overlay_start_0:
0x88: {  	s2 =	sld [smem:$0x3FD9]  }
0x89: {  	s3 =	sld [smem:$0x3FFE];
	_ =	sdelay $0x1  }
0x8a: {  	s1 =	srdreg.scid  }
0x8b: {  	s0 =	sand.u32 $0x1, s1  }
0x8c: {  	s16 =	sshll.u32 s0, $0xA;
	s2 =	sadd.s32 s3, s2  }
0x8d: {  	s2 =	sadd.s32 s2, s16  }
0x8e: {  	[smem:$0x3FC1] =	sst s2  }
0x8f: {  	_ = 	snop  }
0x90: {  	(tm) =	ssettm $0x1  }
0x91: {  	s17 =	sld [smem:$0x3FFB];
	_ =	sdelay $0x3  }
0x92: {  	_ =	strace s17  }
0x93: {  	s2 =	sld [smem:$0x3FFC];
	_ =	sdelay $0x3  }
0x94: {  	_ =	strace s2  }
0x95: {  	s2 =	sld [smem:$0x3FFD];
	_ =	sdelay $0x3  }
0x96: {  	_ =	strace s2  }
0x97: {  	_ =	strace $0x8FFFFFFF  }
0x98: {  	s18 =	sld [smem:$0x3FDB];
	_ =	sdelay $0x1  }
0x99: {  	s19 =	simm.s32 $_scs_section_size  }
0x9a: {  	s4 =	simm.s32 $_size__tile_overlayer_lowered;
	s5 =	simm.s32 $_tile_overlayer_lowered  }
0x9b: {  	s22 =	simm.s32 $0x1BFF;
	s21 =	sshll.u32 s5, $0x1;
	s2 =	sadd.s32 s19, s18  }
0x9c: {  	s6 =	simm.s32 $0x0;
	s20 =	sshll.u32 s4, $0x1;
	s4 =	sadd.s32 s21, s2  }
0x9d: {  	[timem:s6], [sflag:s22] =	dma.local [hbm:s4], s20  }
0x9e: {  	_ =	swait.ge [sflag:s22], s20  }
0x9f: {  	s3 =	ssub.s32 $0x0, s20;
	[sflag:s22] =	ssyncset.done $0x0  }
0xa0: {  	[sflag:s22] =	ssyncadd.s32 s3;
	_ =	sdelay $0x1  }
0xa1: {  	s23 =	simm.s32 $0x1B8B  }
0xa2: {  	_ =	swait.ge [sflag:s23], $0x1  }
0xa3: {  	[sflag:s23] =	ssyncset.done $0x0  }
0xa4: {  	s25 =	simm.s32 $0x1B8E;
	s24 =	sld [smem:$0x3FFE];
	[sflag:s23] =	ssyncadd.s32 $0xFFFFFFFF  }
0xa5: {  	s26 =	simm.s32 $execute0_lowered;
	[smem:$0x3FD2] =	sst s25  }
0xa6: {  	s4 =	sshll.u32 s26, $0x1;
	_ =	strace $0x80000049;
	[dreg:$0x1] =	wrdreg $0xFFFFFFFF  }
0xa7: {  	s28 =	simm.s32 $_size_execute0_lowered;
	s2 =	sadd.s32 s2, s4;
	[dreg:$0x0] =	wrdreg $0x0  }
0xa8: {  	s4 =	sshll.u32 s28, $0x1;
	[dreg:$0x2] =	wrdreg s2  }
0xa9: {  	[dreg:$0x3] =	wrdreg s4  }
0xaa: {  	[dreg:$0x4] =	wrdreg $0xC0  }
0xab: {  	_ =	task [dreg:s6], $0x5FFFF  }
0xac: {  	[dreg:$0x1] =	wrdreg $0xFFFFFFFF  }
0xad: {  	[dreg:$0x0] =	wrdreg $0x60  }
0xae: {  	[dreg:$0x2] =	wrdreg s24  }
0xaf: {  	[dreg:$0x3] =	wrdreg $0x9  }
0xb0: {  	_ =	task.clear_ibuf [dreg:s6], $0x4FFFF;
	_ =	strace $0x90000049  }
0xb1: {  	s29 =	simm.s32 $0x9;
	_ =	strace $0x8000004B  }
0xb2: {  	_ =	swait.ge [sflag:s29], $0x1  }
0xb3: {  	[sflag:s29] =	ssyncadd.s32 $0xFFFFFFFF  }
0xb4: {  	_ =	strace $0x9000004B  }
0xb5: {  	_ =	sfence  }
0xb6: {  	s30 =	sld [smem:$0x0];
	_ =	sdelay $0x2  }
0xb7: {  	s31 =	sshll.u32 s1, $0xD;
	s1 =	sshrl.u32 s1, $0x2  }
0xb8: {  	s3 =	sand.u32 $0x4000, s31;
	s1 =	sadd.s32 s1, s30  }
0xb9: {  	s0 =	sor.u32 s3, s0;
	s1 =	sshll.u32 s1, $0x11  }
0xba: {  	s0 =	sor.u32 s1, s0  }
0xbb: {  	s0 =	sadd.s32 $0x8F2B, s0  }
0xbc: {  	[sflag:s0] =	ssyncadd.remote.s32 $0x1  }
0xbd: {  	_ =	sfence.sel $0xFFFF  }
0xbe: {  	[dreg:$0x0] =	wrdreg $0xFFFFFFFF;
	(pc) =	sbr.abs _section_cstart, $3  }
0xbf: {  	[dreg:$0x1] =	wrdreg $0xFFFFFFFF  }
0xc0: {  	_ =	task.clear_ibuf [dreg:s6], $0x2FFFF;
	_ =	strace $0x9FFFFFFF  }
0xc1: {  	(tm) =	ssettm $0x7FFFFFFF  }
tec
execute0_lowered:
.L_overlay_start_1:
0x0: {  	(tag) =	ssettag $0x1  }
0x1: {  	s5 =	rddreg [dreg:$0x0]  }
0x2: {  	s0 =	rddreg [dreg:$0x1];
	s2 =	simm.s32 $0x0;
	s3 =	srdreg.scid  }
0x3: {  	s1 =	stileid.u32;
	s11 =	simm.s32 $0x100;
	s12 =	simm.s32 $0x200  }
0x4: {  	s13 =	simm.s32 $0x8200;
	s14 =	simm.s32 $0x1;
	s15 =	simm.s32 $0x2  }
0x5: {  	s16 =	simm.s32 $0x10200;
	s17 =	simm.s32 $0x0;
	[smem:$0x7FF] =	sst s2  }
0x6: {  	s4 =	sand.u32 $0x1, s3;
	s30 =	sshll.u32 s1, $0x1;
	s3 =	sadd.s32 $0x5A5400, s5  }
0x7: {  	_ =	strace $0x8000004A;
	s6 =	sor.u32 s4, s30;
	s8 =	ssub.s32 $0x2, s4  }
0x8: {  	s4 =	sadd.s32 $0x2600, s5;
	s7 =	sshll.u32 s6, $0xC;
	s31 =	sshrl.u32 s8, $0x1  }
0x9: {  	s9 =	sadd.s32 s7, s5;
	s5 =	sshll.u32 s6, $0xE;
	s6 =	sshll.u32 s6, $0xB  }
0xa: {  	s10 =	ssub.s32 s8, s31;
	s6 =	sadd.s32 s4, s6;
	s7 =	sor.u32 $0x200, s5  }
0xb: {  	s8 =	sadd.s32 $0x12600, s9;
	s9 =	smax.u32 s10, $0x1;
	s10 =	simm.s32 $0x3  }
.LBB2_1:
0xc: {  	[tilespmem:s2], [sflag:$0x3] =	stream.linear.gather [hbm4b:s6+s2], $0x100, $0x38;
	[tilespmem:$0x18200] =	vst v63  }
0xd: {  	_ =	swait.ge [sflag:s10], $0x100  }
0xe: {  	[sflag:s10] =	ssyncset.done $0x0  }
0xf: {  	s18 =	simm.s32 $0x0;
	[sflag:s10] =	ssyncadd.s32 $0xFFFFFF00  }
0x10: {  	[tilespmem:s12], [sflag:$0x1] =	stream.indirect.gather [hbm4b:s3+s11], $0x80, s2, s11, $0xb8;
	[tilespmem:$0x18200] =	vst v63  }
.LBB2_2:
0x11: {  	s19 =	sshllo.u32 s18, $0x1  }
0x12: {  	s20 =	sshll.u32 s19, $0x8  }
0x13: {  	s20 =	sadd.s32 s5, s20  }
0x14: {  	s20 =	sshrl.u32 s20, $0x3  }
0x15: {  	s21 =	sadd.s32 s4, s20;
	s20 =	simm.s32 $0x0  }
0x16: {  	[tilespmem:s11], [sflag:$0x3] =	stream.linear.gather [hbm4b:s21+s20], $0x100, $0x38;
	[tilespmem:$0x18200] =	vst v63  }
0x17: {  	_ =	swait.ge [sflag:s10], $0x100  }
0x18: {  	[sflag:s10] =	ssyncset.done $0x0  }
0x19: {  	s31 =	sshll.u32 s18, $0xA;
	[sflag:s10] =	ssyncadd.s32 $0xFFFFFF00  }
0x1a: {  	[tilespmem:s13], [sflag:$0x2] =	stream.indirect.gather [hbm4b:s3+s11], $0x80, s11, s11, $0xb8;
	[tilespmem:$0x18200] =	vst v63  }
0x1b: {  	s21 =	sand.u32 $0x3FFFFC00, s31;
	_ =	swait.ge [sflag:s14], $0x8000  }
0x1c: {  	s22 =	sadd.s32 $0x10200, s21;
	[sflag:s14] =	ssyncset.done $0x0  }
0x1d: {  	s21 =	simm.s32 $0x600;
	v0 =	vmov s22;
	[sflag:s14] =	ssyncadd.s32 $0xFFFF8000  }
.LBB2_3:
0x1e: {  	v1 =	vld [tilespmem:s21+$0x300]  }
0x1f: {  	v2 =	vld [tilespmem:s21+$0x310]  }
0x20: {  	v3 =	vld [tilespmem:s21+$0x200]  }
0x21: {  	v4 =	vld [tilespmem:s21+$0x210]  }
0x22: {  	v10 =	vld [tilespmem:s21+$0x100]  }
0x23: {  	v13 =	vld [tilespmem:s21+$0x110]  }
0x24: {  	v8 =	vld [tilespmem:s21+$0x0]  }
0x25: {  	v9 =	vld [tilespmem:s21+$0x10]  }
0x26: {  	v6 =	vld [tilespmem:s21+$0xFFFFFF00]  }
0x27: {  	v7 =	vld [tilespmem:s21+$0xFFFFFF10]  }
0x28: {  	v5 =	vld [tilespmem:s21+$0xFFFFFE00]  }
0x29: {  	v11 =	vld [tilespmem:s21+$0xFFFFFE10]  }
0x2a: {  	v12 =	vld [tilespmem:s21+$0xFFFFFD00]  }
0x2b: {  	v14 =	vld [tilespmem:s21+$0xFFFFFD10]  }
0x2c: {  	v15 =	vld [tilespmem:s21+$0xFFFFFC00]  }
0x2d: {  	v16 =	vld [tilespmem:s21+$0xFFFFFC10]  }
0x2e: {  	v17 =	vld [tilespmem:s21+$0xFFFFFC80]  }
0x2f: {  	v18 =	vld [tilespmem:s21+$0xFFFFFC90]  }
0x30: {  	v19 =	vld [tilespmem:s21+$0xFFFFFD80]  }
0x31: {  	v20 =	vld [tilespmem:s21+$0xFFFFFD90]  }
0x32: {  	v21 =	vimm.f32 $0.0e+00;
	v22 =	vld [tilespmem:s21+$0xFFFFFE80]  }
0x33: {  	v23 =	vld [tilespmem:s21+$0xFFFFFE90];
	v15 =	vadd.f32 v15, v21;
	v16 =	vadd.f32 v16, v21  }
0x34: {  	v58 =	vld [tilespmem:s21+$0xFFFFFF80];
	v17 =	vadd.f32 v17, v21;
	v18 =	vadd.f32 v18, v21  }
0x35: {  	v12 =	vadd.f32 v12, v15;
	v14 =	vadd.f32 v14, v16;
	v15 =	vld [tilespmem:s21+$0xFFFFFF90]  }
0x36: {  	v61 =	vld [tilespmem:s21+$0x80];
	v59 =	vadd.f32 v19, v17;
	v60 =	vadd.f32 v20, v18  }
0x37: {  	v12 =	vadd.f32 v5, v12;
	v11 =	vadd.f32 v11, v14;
	v14 =	vld [tilespmem:s21+$0x90]  }
0x38: {  	v16 =	vadd.f32 v22, v59;
	v17 =	vadd.f32 v23, v60;
	v5 =	vld [tilespmem:s21+$0x180]  }
0x39: {  	v12 =	vadd.f32 v6, v12;
	v11 =	vadd.f32 v7, v11;
	v7 =	vld [tilespmem:s21+$0x190]  }
0x3a: {  	v16 =	vadd.f32 v58, v16;
	v6 =	vld [tilespmem:s21+$0x280];
	v15 =	vadd.f32 v15, v17  }
0x3b: {  	v62 =	vadd.f32 v8, v12;
	v63 =	vadd.f32 v9, v11;
	v9 =	vld [tilespmem:s21+$0x290]  }
0x3c: {  	v11 =	vadd.f32 v61, v16;
	v8 =	vld [tilespmem:s21+$0x380];
	v12 =	vadd.f32 v14, v15  }
0x3d: {  	s22 =	simm.s32 $0x0;
	s23 =	sadd.s32 $0x800, s21;
	v14 =	vadd.f32 v10, v62;
	v13 =	vadd.f32 v13, v63;
	v10 =	vld [tilespmem:s21+$0x390]  }
.LBB2_4:
0x3e: {  	v15 =	vld [tilespmem:s23+$0x300];
	v5 =	vadd.f32 v5, v11;
	v7 =	vadd.f32 v7, v12  }
0x3f: {  	v11 =	vld [tilespmem:s23+$0x310];
	v12 =	vadd.f32 v3, v14;
	v13 =	vadd.f32 v4, v13  }
0x40: {  	v3 =	vld [tilespmem:s23+$0x200];
	v5 =	vadd.f32 v6, v5;
	v6 =	vadd.f32 v9, v7  }
0x41: {  	v4 =	vld [tilespmem:s23+$0x210];
	v7 =	vadd.f32 v1, v12;
	v9 =	vadd.f32 v2, v13  }
0x42: {  	v13 =	vld [tilespmem:s23+$0x100];
	v5 =	vadd.f32 v8, v5;
	v6 =	vadd.f32 v10, v6  }
0x43: {  	v10 =	vld [tilespmem:s23+$0x110];
	v1 =	vmov v15  }
0x44: {  	v8 =	vld [tilespmem:s23+$0x0];
	v2 =	vmov v11  }
0x45: {  	v11 =	vld [tilespmem:s23+$0x10]  }
0x46: {  	v12 =	vld [tilespmem:s23+$0xFFFFFF00]  }
0x47: {  	v14 =	vld [tilespmem:s23+$0xFFFFFF10]  }
0x48: {  	v15 =	vld [tilespmem:s23+$0xFFFFFE00]  }
0x49: {  	v16 =	vld [tilespmem:s23+$0xFFFFFE10]  }
0x4a: {  	v17 =	vld [tilespmem:s23+$0xFFFFFD00]  }
0x4b: {  	v18 =	vld [tilespmem:s23+$0xFFFFFD10]  }
0x4c: {  	v19 =	vld [tilespmem:s23+$0xFFFFFC00]  }
0x4d: {  	v20 =	vld [tilespmem:s23+$0xFFFFFC10]  }
0x4e: {  	v21 =	vld [tilespmem:s23+$0xFFFFFC80]  }
0x4f: {  	s22 =	sadd.s32 $0x8, s22;
	v22 =	vld [tilespmem:s23+$0xFFFFFC90]  }
0x50: {  	p0 =	slt.u32 s22, $0x18;
	v23 =	vld [tilespmem:s23+$0xFFFFFD80]  }
0x51: {  	v24 =	vld [tilespmem:s23+$0xFFFFFD90]  }
0x52: {  	v25 =	vld [tilespmem:s23+$0xFFFFFE80]  }
0x53: {  	v7 =	vadd.f32 v19, v7;
	v9 =	vadd.f32 v20, v9;
	v19 =	vld [tilespmem:s23+$0xFFFFFE90]  }
0x54: {  	v5 =	vadd.f32 v21, v5;
	v6 =	vadd.f32 v22, v6;
	v20 =	vld [tilespmem:s23+$0xFFFFFF80]  }
0x55: {  	v7 =	vadd.f32 v17, v7;
	v9 =	vadd.f32 v18, v9;
	v17 =	vld [tilespmem:s23+$0xFFFFFF90]  }
0x56: {  	v5 =	vadd.f32 v23, v5;
	v6 =	vadd.f32 v24, v6;
	v18 =	vld [tilespmem:s23+$0x80]  }
0x57: {  	v7 =	vadd.f32 v15, v7;
	v9 =	vadd.f32 v16, v9;
	v15 =	vld [tilespmem:s23+$0x90]  }
0x58: {  	v16 =	vadd.f32 v25, v5;
	v6 =	vadd.f32 v19, v6;
	v5 =	vld [tilespmem:s23+$0x180]  }
.Ltmp0:
0x59: {  	v12 =	vadd.f32 v12, v7;
	v9 =	vadd.f32 v14, v9;
	v7 =	vld [tilespmem:s23+$0x190];
	(pc) =	sbr.rel @p0 .LBB2_4-.Ltmp0, $4  }
0x5a: {  	v14 =	vadd.f32 v20, v16;
	v16 =	vadd.f32 v17, v6;
	v6 =	vld [tilespmem:s23+$0x280]  }
0x5b: {  	v17 =	vadd.f32 v8, v12;
	v19 =	vadd.f32 v11, v9;
	v9 =	vld [tilespmem:s23+$0x290]  }
0x5c: {  	v11 =	vadd.f32 v18, v14;
	v12 =	vadd.f32 v15, v16;
	v8 =	vld [tilespmem:s23+$0x380]  }
0x5d: {  	v14 =	vadd.f32 v13, v17;
	v13 =	vadd.f32 v10, v19;
	v10 =	vld [tilespmem:s23+$0x390];
	s23 =	sadd.s32 $0x800, s23  }
0x5e: {  	v5 =	vadd.f32 v5, v11  }
0x5f: {  	v7 =	vadd.f32 v7, v12  }
0x60: {  	v3 =	vadd.f32 v3, v14;
	v5 =	vadd.f32 v6, v5  }
0x61: {  	s22 =	sshll.u32 s20, $0x7;
	s20 =	sadd.s32 $0x1, s20;
	v4 =	vadd.f32 v4, v13;
	v62 =	vadd.f32 v9, v7  }
0x62: {  	p0 =	sne.s32 s20, $0x4;
	v1 =	vadd.f32 v1, v3;
	v3 =	vadd.f32 v8, v5  }
.Ltmp1:
0x63: {  	v2 =	vadd.f32 v2, v4;
	v63 =	vadd.f32 v10, v62;
	(pc) =	sbr.rel @p0 .LBB2_3-.Ltmp1, $4  }
0x64: {  	v1 =	vadd.f32 v3, v1  }
0x65: {  	s22 =	sand.u32 $0x3FFFFF80, s22;
	v2 =	vadd.f32 v63, v2  }
0x66: {  	[tilespmem:v0+s22+$0x0 ss:$0x1] =	vst.idx.msk $0xffff, v1  }
0x67: {  	s21 =	sadd.s32 $0x2000, s21;
	[tilespmem:v0+s22+$0x10 ss:$0x1] =	vst.idx.msk $0xffff, v2  }
0x68: {  	p0 =	seq.s32 s18, $0x1F  }
0x69: {  	s20 =	sshll.u32 @!p0 s18, $0x9  }
0x6a: {  	s20 =	sadd.s32 @!p0 s20, s7  }
0x6b: {  	s20 =	sshrl.u32 @!p0 s20, $0x3  }
0x6c: {  	s21 =	simm.s32 @!p0 $0x0;
	s20 =	sadd.s32 @!p0 s4, s20  }
0x6d: {  	[tilespmem:s21], [sflag:$0x3] =	stream.linear.gather @!p0 [hbm4b:s20+s21], $0x100, $0x38;
	[tilespmem:$0x18200] =	vst v63  }
0x6e: {  	s20 =	simm.s32 @!p0 $0x3  }
0x6f: {  	_ =	swait.ge @!p0 [sflag:s20], $0x100  }
0x70: {  	s19 =	sshll.u32 s19, $0x9;
	[sflag:s20] =	ssyncset.done @!p0 $0x0  }
0x71: {  	s22 =	simm.s32 @!p0 $0x200;
	[sflag:s20] =	ssyncadd.s32 @!p0 $0xFFFFFF00;
	s20 =	simm.s32 @!p0 $0x100  }
0x72: {  	[tilespmem:s22], [sflag:$0x1] =	stream.indirect.gather @!p0 [hbm4b:s3+s20], $0x80, s21, s20, $0xb8;
	[tilespmem:$0x18200] =	vst v63  }
0x73: {  	s19 =	sand.u32 $0x3FFFFE00, s19;
	_ =	swait.ge [sflag:s15], $0x8000  }
0x74: {  	s31 =	sadd.s32 $0x10200, s19;
	[sflag:s15] =	ssyncset.done $0x0  }
0x75: {  	s19 =	simm.s32 $0x0;
	v0 =	vmov s31;
	s20 =	simm.s32 $0x8600;
	[sflag:s15] =	ssyncadd.s32 $0xFFFF8000  }
.LBB2_7:
0x76: {  	v1 =	vld [tilespmem:s20+$0x300]  }
0x77: {  	v2 =	vld [tilespmem:s20+$0x310]  }
0x78: {  	v3 =	vld [tilespmem:s20+$0x200]  }
0x79: {  	v4 =	vld [tilespmem:s20+$0x210]  }
0x7a: {  	v10 =	vld [tilespmem:s20+$0x100]  }
0x7b: {  	v13 =	vld [tilespmem:s20+$0x110]  }
0x7c: {  	v8 =	vld [tilespmem:s20+$0x0]  }
0x7d: {  	v9 =	vld [tilespmem:s20+$0x10]  }
0x7e: {  	v6 =	vld [tilespmem:s20+$0xFFFFFF00]  }
0x7f: {  	v7 =	vld [tilespmem:s20+$0xFFFFFF10]  }
0x80: {  	v5 =	vld [tilespmem:s20+$0xFFFFFE00]  }
0x81: {  	v11 =	vld [tilespmem:s20+$0xFFFFFE10]  }
0x82: {  	v12 =	vld [tilespmem:s20+$0xFFFFFD00]  }
0x83: {  	v14 =	vld [tilespmem:s20+$0xFFFFFD10]  }
0x84: {  	v15 =	vld [tilespmem:s20+$0xFFFFFC00]  }
0x85: {  	v16 =	vld [tilespmem:s20+$0xFFFFFC10]  }
0x86: {  	v17 =	vld [tilespmem:s20+$0xFFFFFC80]  }
0x87: {  	v18 =	vld [tilespmem:s20+$0xFFFFFC90]  }
0x88: {  	v19 =	vld [tilespmem:s20+$0xFFFFFD80]  }
0x89: {  	v20 =	vld [tilespmem:s20+$0xFFFFFD90]  }
0x8a: {  	v21 =	vimm.f32 $0.0e+00;
	v22 =	vld [tilespmem:s20+$0xFFFFFE80]  }
0x8b: {  	v23 =	vld [tilespmem:s20+$0xFFFFFE90];
	v15 =	vadd.f32 v15, v21;
	v16 =	vadd.f32 v16, v21  }
0x8c: {  	v58 =	vld [tilespmem:s20+$0xFFFFFF80];
	v17 =	vadd.f32 v17, v21;
	v18 =	vadd.f32 v18, v21  }
0x8d: {  	v12 =	vadd.f32 v12, v15;
	v14 =	vadd.f32 v14, v16;
	v15 =	vld [tilespmem:s20+$0xFFFFFF90]  }
0x8e: {  	v61 =	vld [tilespmem:s20+$0x80];
	v59 =	vadd.f32 v19, v17;
	v60 =	vadd.f32 v20, v18  }
0x8f: {  	v12 =	vadd.f32 v5, v12;
	v11 =	vadd.f32 v11, v14;
	v14 =	vld [tilespmem:s20+$0x90]  }
0x90: {  	v16 =	vadd.f32 v22, v59;
	v17 =	vadd.f32 v23, v60;
	v5 =	vld [tilespmem:s20+$0x180]  }
0x91: {  	v12 =	vadd.f32 v6, v12;
	v11 =	vadd.f32 v7, v11;
	v7 =	vld [tilespmem:s20+$0x190]  }
0x92: {  	v16 =	vadd.f32 v58, v16;
	v6 =	vld [tilespmem:s20+$0x280];
	v15 =	vadd.f32 v15, v17  }
0x93: {  	v62 =	vadd.f32 v8, v12;
	v63 =	vadd.f32 v9, v11;
	v9 =	vld [tilespmem:s20+$0x290]  }
0x94: {  	v11 =	vadd.f32 v61, v16;
	v8 =	vld [tilespmem:s20+$0x380];
	v12 =	vadd.f32 v14, v15  }
0x95: {  	s21 =	simm.s32 $0x0;
	s22 =	sadd.s32 $0x800, s20;
	v14 =	vadd.f32 v10, v62;
	v13 =	vadd.f32 v13, v63;
	v10 =	vld [tilespmem:s20+$0x390]  }
.LBB2_8:
0x96: {  	v15 =	vld [tilespmem:s22+$0x300];
	v5 =	vadd.f32 v5, v11;
	v7 =	vadd.f32 v7, v12  }
0x97: {  	v11 =	vld [tilespmem:s22+$0x310];
	v12 =	vadd.f32 v3, v14;
	v13 =	vadd.f32 v4, v13  }
0x98: {  	v3 =	vld [tilespmem:s22+$0x200];
	v5 =	vadd.f32 v6, v5;
	v6 =	vadd.f32 v9, v7  }
0x99: {  	v4 =	vld [tilespmem:s22+$0x210];
	v7 =	vadd.f32 v1, v12;
	v9 =	vadd.f32 v2, v13  }
0x9a: {  	v13 =	vld [tilespmem:s22+$0x100];
	v5 =	vadd.f32 v8, v5;
	v6 =	vadd.f32 v10, v6  }
0x9b: {  	v10 =	vld [tilespmem:s22+$0x110];
	v1 =	vmov v15  }
0x9c: {  	v8 =	vld [tilespmem:s22+$0x0];
	v2 =	vmov v11  }
0x9d: {  	v11 =	vld [tilespmem:s22+$0x10]  }
0x9e: {  	v12 =	vld [tilespmem:s22+$0xFFFFFF00]  }
0x9f: {  	v14 =	vld [tilespmem:s22+$0xFFFFFF10]  }
0xa0: {  	v15 =	vld [tilespmem:s22+$0xFFFFFE00]  }
0xa1: {  	v16 =	vld [tilespmem:s22+$0xFFFFFE10]  }
0xa2: {  	v17 =	vld [tilespmem:s22+$0xFFFFFD00]  }
0xa3: {  	v18 =	vld [tilespmem:s22+$0xFFFFFD10]  }
0xa4: {  	v19 =	vld [tilespmem:s22+$0xFFFFFC00]  }
0xa5: {  	v20 =	vld [tilespmem:s22+$0xFFFFFC10]  }
0xa6: {  	v21 =	vld [tilespmem:s22+$0xFFFFFC80]  }
0xa7: {  	s21 =	sadd.s32 $0x8, s21;
	v22 =	vld [tilespmem:s22+$0xFFFFFC90]  }
0xa8: {  	p0 =	slt.u32 s21, $0x18;
	v23 =	vld [tilespmem:s22+$0xFFFFFD80]  }
0xa9: {  	v24 =	vld [tilespmem:s22+$0xFFFFFD90]  }
0xaa: {  	v25 =	vld [tilespmem:s22+$0xFFFFFE80]  }
0xab: {  	v7 =	vadd.f32 v19, v7;
	v9 =	vadd.f32 v20, v9;
	v19 =	vld [tilespmem:s22+$0xFFFFFE90]  }
0xac: {  	v5 =	vadd.f32 v21, v5;
	v6 =	vadd.f32 v22, v6;
	v20 =	vld [tilespmem:s22+$0xFFFFFF80]  }
0xad: {  	v7 =	vadd.f32 v17, v7;
	v9 =	vadd.f32 v18, v9;
	v17 =	vld [tilespmem:s22+$0xFFFFFF90]  }
0xae: {  	v5 =	vadd.f32 v23, v5;
	v6 =	vadd.f32 v24, v6;
	v18 =	vld [tilespmem:s22+$0x80]  }
0xaf: {  	v7 =	vadd.f32 v15, v7;
	v9 =	vadd.f32 v16, v9;
	v15 =	vld [tilespmem:s22+$0x90]  }
0xb0: {  	v16 =	vadd.f32 v25, v5;
	v6 =	vadd.f32 v19, v6;
	v5 =	vld [tilespmem:s22+$0x180]  }
.Ltmp2:
0xb1: {  	v12 =	vadd.f32 v12, v7;
	v9 =	vadd.f32 v14, v9;
	v7 =	vld [tilespmem:s22+$0x190];
	(pc) =	sbr.rel @p0 .LBB2_8-.Ltmp2, $4  }
0xb2: {  	v14 =	vadd.f32 v20, v16;
	v16 =	vadd.f32 v17, v6;
	v6 =	vld [tilespmem:s22+$0x280]  }
0xb3: {  	v17 =	vadd.f32 v8, v12;
	v19 =	vadd.f32 v11, v9;
	v9 =	vld [tilespmem:s22+$0x290]  }
0xb4: {  	v11 =	vadd.f32 v18, v14;
	v12 =	vadd.f32 v15, v16;
	v8 =	vld [tilespmem:s22+$0x380]  }
0xb5: {  	v14 =	vadd.f32 v13, v17;
	v13 =	vadd.f32 v10, v19;
	v10 =	vld [tilespmem:s22+$0x390];
	s22 =	sadd.s32 $0x800, s22  }
0xb6: {  	v5 =	vadd.f32 v5, v11  }
0xb7: {  	v7 =	vadd.f32 v7, v12  }
0xb8: {  	v3 =	vadd.f32 v3, v14;
	v5 =	vadd.f32 v6, v5  }
0xb9: {  	s21 =	sshll.u32 s19, $0x7;
	s19 =	sadd.s32 $0x1, s19;
	v4 =	vadd.f32 v4, v13;
	v62 =	vadd.f32 v9, v7  }
0xba: {  	p0 =	sne.s32 s19, $0x4;
	v1 =	vadd.f32 v1, v3;
	v3 =	vadd.f32 v8, v5  }
.Ltmp3:
0xbb: {  	v2 =	vadd.f32 v2, v4;
	v63 =	vadd.f32 v10, v62;
	(pc) =	sbr.rel @p0 .LBB2_7-.Ltmp3, $4  }
0xbc: {  	v1 =	vadd.f32 v3, v1  }
0xbd: {  	s21 =	sand.u32 $0x3FFFFF80, s21;
	v2 =	vadd.f32 v63, v2  }
0xbe: {  	[tilespmem:v0+s21+$0x0 ss:$0x1] =	vst.idx.msk $0xffff, v1  }
0xbf: {  	s20 =	sadd.s32 $0x2000, s20;
	[tilespmem:v0+s21+$0x10 ss:$0x1] =	vst.idx.msk $0xffff, v2  }
0xc0: {  	s18 =	sadd.s32 $0x1, s18  }
0xc1: {  	p0 =	sne.s32 s18, $0x20  }
.Ltmp4:
0xc2: {  	_ = 	snop;
	(pc) =	sbr.rel @p0 .LBB2_2-.Ltmp4, $1  }
0xc3: {  	_ =	sdelay $0x3  }
0xc4: {  	s17 =	sadd.s32 $0x1, s17  }
0xc5: {  	p0 =	sne.s32 s17, s9  }
.Ltmp5:
0xc6: {  	_ = 	snop;
	(pc) =	sbr.rel @p0 .LBB2_1-.Ltmp5, $4  }
0xc7: {  	[hbm4b:s8+s2] =	stream.linear.scatter [tilespmem:s16], [sflag:$0x3], $0x8000, $0x38;
	[tilespmem:$0x18200] =	vst v63  }
0xc8: {  	_ =	swait.ge [sflag:s10], $0x8000  }
0xc9: {  	[sflag:s10] =	ssyncset.done $0x0  }
0xca: {  	[sflag:s10] =	ssyncadd.s32 $0xFFFF8000  }
0xcb: {  	_ =	sfence.sel $0x180000  }
0xcc: {  	[bflag:$0x0] =	sbarrier.arrive $0xFFFF  }
0xcd: {  	p0 =	sne.s32 s1, $0x0;
	_ =	strace $0x9000004A  }
0xce: {  	s0 =	sadd.s32 @!p0 $0x100000, s0;
	[bflag:$0x2] =	sbarrier.arrive $0xFFFF  }
0xcf: {  	[sflag:s0] =	ssyncadd.tile.s32 @!p0 $0x1;
	_ =	shalt  }
.Lfunc_end2:
_tile_overlayer_lowered:
.L_overlay_start_2:
0xd0: {  	(tag) =	ssettag $0x2  }
0xd1: {  	s0 =	rddreg [dreg:$0x0];
	s2 =	stileid.u32  }
0xd2: {  	s1 =	rddreg [dreg:$0x1];
	p0 =	sne.s32 s2, $0x0  }
0xd3: {  	s3 =	rddreg [dreg:$0x2];
	[bflag:$0x3] =	sbarrier.arrive $0xFFFF;
	s2 =	simm.s32 @!p0 $0x1C03  }
0xd4: {  	[timem:s3], [sflag:s2] =	dma.local @!p0 [hbm:s0], s1  }
0xd5: {  	s0 =	simm.s32 @!p0 $0x3  }
0xd6: {  	_ =	swait.ge @!p0 [sflag:s0], s1  }
0xd7: {  	s1 =	ssub.s32 @!p0 $0x0, s1;
	[sflag:s0] =	ssyncset.done @!p0 $0x0  }
0xd8: {  	[sflag:s0] =	ssyncadd.s32 @!p0 s1  }
0xd9: {  	[bflag:$0x3] =	sbarrier.arrive $0xFFFF  }
0xda: {  	_ =	shalt  }

</sc_bundles>
